<compile_context>
chip_gen: v7x
topology: tpu7x:2x2x1
jax: 0.10.2.dev20260603
libtpu: 0.0.44.dev20260713+nightly
codegen_flags: <defaults>
</compile_context>

<pallas_src>
import jax
import jax.numpy as jnp
from jax import lax
from jax.experimental import pallas as pl
from jax.experimental.pallas import tpu as pltpu
from jax.experimental.pallas import tpu_sc as plsc

N_ROWS = 16384
D = 128
T_LEN = 1000
N_WORKERS = 32
RPW = N_ROWS // N_WORKERS
C = 128
N_CHUNKS = RPW // C


def _sc_qsample(x0, noise, t, table_a, table_b, xt, noise_out,
                ta_v, tb_v, idx_v, a_v, b_v,
                xb0, xb1, nb0, nb1, ob0, ob1,
                sx0, sx1, sn0, sn1, so0, so1, sno0, sno1):
    wid = lax.axis_index("s") * 2 + lax.axis_index("c")
    base = wid * RPW

    def early_in(c, s):
        pltpu.async_copy(
            x0.at[pl.ds(base + c * C, C), :],
            [xb0, xb1][s], [sx0, sx1][s])
        pltpu.async_copy(
            noise.at[pl.ds(base + c * C, C), :],
            [nb0, nb1][s], [sn0, sn1][s])

    early_in(0, 0)
    early_in(1, 1)

    pltpu.sync_copy(table_a, ta_v)
    pltpu.sync_copy(table_b, tb_v)
    pltpu.sync_copy(t.at[pl.ds(base, RPW)], idx_v)

    @plsc.parallel_loop(0, RPW // 16, unroll=2)
    def gath(j):
        iv = idx_v[pl.ds(j * 16, 16)]
        a_v[pl.ds(j * 16, 16)] = plsc.load_gather(ta_v, [iv])
        b_v[pl.ds(j * 16, 16)] = plsc.load_gather(tb_v, [iv])

    xbufs = [xb0, xb1]
    nbufs = [nb0, nb1]
    obufs = [ob0, ob1]
    sxs = [sx0, sx1]
    sns = [sn0, sn1]
    sos = [so0, so1]
    snos = [sno0, sno1]

    def start_in(c, s):
        pltpu.async_copy(x0.at[pl.ds(base + c * C, C), :], xbufs[s], sxs[s])
        pltpu.async_copy(noise.at[pl.ds(base + c * C, C), :], nbufs[s], sns[s])

    def wait_in(s):
        pltpu.make_async_copy(
            x0.at[pl.ds(base, C), :], xbufs[s], sxs[s]).wait()
        pltpu.make_async_copy(
            noise.at[pl.ds(base, C), :], nbufs[s], sns[s]).wait()

    def start_nout(c, s):
        pltpu.async_copy(
            nbufs[s], noise_out.at[pl.ds(base + c * C, C), :], snos[s])

    def wait_nout(s):
        pltpu.make_async_copy(
            nbufs[s], noise_out.at[pl.ds(base, C), :], snos[s]).wait()

    def start_xtout(c, s):
        pltpu.async_copy(obufs[s], xt.at[pl.ds(base + c * C, C), :], sos[s])

    def wait_xtout(s):
        pltpu.make_async_copy(
            obufs[s], xt.at[pl.ds(base, C), :], sos[s]).wait()

    def compute(c, s):
        xbuf, nbuf, obuf = xbufs[s], nbufs[s], obufs[s]

        @plsc.parallel_loop(0, C, unroll=2)
        def row(r):
            ci = jnp.full((16,), 0, jnp.int32) + (c * C + r)
            av = plsc.load_gather(a_v, [ci])
            bv = plsc.load_gather(b_v, [ci])
            for j in range(D // 16):
                sl = pl.ds(j * 16, 16)
                obuf[r, sl] = av * xbuf[r, sl] + bv * nbuf[r, sl]

    NPAIR = N_CHUNKS // 2

    @pl.loop(0, NPAIR)
    def pair(i):
        c0 = i * 2
        c1 = c0 + 1

        wait_in(0)
        start_nout(c0, 0)

        @pl.when(i >= 1)
        def _():
            wait_xtout(0)

        compute(c0, 0)
        start_xtout(c0, 0)

        @pl.when(i < NPAIR - 1)
        def _():
            wait_nout(0)
            start_in(c0 + 2, 0)

        wait_in(1)
        start_nout(c1, 1)

        @pl.when(i >= 1)
        def _():
            wait_xtout(1)

        compute(c1, 1)
        start_xtout(c1, 1)

        @pl.when(i < NPAIR - 1)
        def _():
            wait_nout(1)
            start_in(c1 + 2, 1)

    wait_xtout(0)
    wait_xtout(1)
    wait_nout(0)
    wait_nout(1)


@jax.jit
def kernel(x0, t, noise, sqrt_alpha_bar, sqrt_one_minus_alpha_bar):
    t32 = t.astype(jnp.int32)
    mesh = plsc.VectorSubcoreMesh(core_axis_name="c", subcore_axis_name="s")
    xt, noise_out = pl.kernel(
        _sc_qsample,
        out_type=(
            jax.ShapeDtypeStruct((N_ROWS, D), jnp.float32),
            jax.ShapeDtypeStruct((N_ROWS, D), jnp.float32),
        ),
        mesh=mesh,
        compiler_params=pltpu.CompilerParams(needs_layout_passes=False),
        scratch_types=[
            pltpu.VMEM((T_LEN,), jnp.float32),
            pltpu.VMEM((T_LEN,), jnp.float32),
            pltpu.VMEM((RPW,), jnp.int32),
            pltpu.VMEM((RPW,), jnp.float32),
            pltpu.VMEM((RPW,), jnp.float32),
            pltpu.VMEM((C, D), jnp.float32),
            pltpu.VMEM((C, D), jnp.float32),
            pltpu.VMEM((C, D), jnp.float32),
            pltpu.VMEM((C, D), jnp.float32),
            pltpu.VMEM((C, D), jnp.float32),
            pltpu.VMEM((C, D), jnp.float32),
            pltpu.SemaphoreType.DMA,
            pltpu.SemaphoreType.DMA,
            pltpu.SemaphoreType.DMA,
            pltpu.SemaphoreType.DMA,
            pltpu.SemaphoreType.DMA,
            pltpu.SemaphoreType.DMA,
            pltpu.SemaphoreType.DMA,
            pltpu.SemaphoreType.DMA,
        ],
    )(x0, noise, t32, sqrt_alpha_bar, sqrt_one_minus_alpha_bar)
    return (xt, noise_out)

# --- scband reference (transcript-rebuilt; emitter-appended) ---
"""Pipeline reference for scband-cosine-noise-schedule-18382460027467 (READ-ONLY COPY).

The authoritative reference and input builder live on the scoring server;
editing this copy changes nothing except your own understanding.
"""

import math
import jax, jax.numpy as jnp
import numpy as np

T = 1000
S = 0.008

def _build_schedule(T, s):
    steps = T + 1
    x = jnp.linspace(0.0, float(T), steps)
    alphas_cumprod = jnp.cos((x / T + s) / (1 + s) * math.pi * 0.5) ** 2
    alphas_cumprod = alphas_cumprod / alphas_cumprod[0]
    betas = 1.0 - alphas_cumprod[1:] / alphas_cumprod[:-1]
    betas = jnp.clip(betas, 0.0001, 0.9999)
    alphas = 1.0 - betas
    alpha_bar = jnp.cumprod(alphas, axis=0)
    sqrt_alpha_bar = jnp.sqrt(alpha_bar)
    sqrt_one_minus_alpha_bar = jnp.sqrt(1.0 - alpha_bar)
    return sqrt_alpha_bar.astype(jnp.float32), sqrt_one_minus_alpha_bar.astype(jnp.float32)

def setup_inputs(seed: int = 0) -> dict:
    key = jax.random.key(seed)
    k1, k2, k3 = jax.random.split(key, 3)
    x0 = jax.random.normal(k1, (16384, 128), dtype=jnp.float32)
    t = jax.random.randint(k2, (16384,), 0, T, dtype=jnp.int64 if jax.config.read('jax_enable_x64') else jnp.int32)
    noise = jax.random.normal(k3, (16384, 128), dtype=jnp.float32)
    sqrt_alpha_bar, sqrt_one_minus_alpha_bar = _build_schedule(T, S)
    return {"x0": x0, "t": t, "noise": noise,
            "sqrt_alpha_bar": sqrt_alpha_bar,
            "sqrt_one_minus_alpha_bar": sqrt_one_minus_alpha_bar}

def reference(x0, t, noise, sqrt_alpha_bar, sqrt_one_minus_alpha_bar):
    # q_sample: gather per-timestep coefficients (embedding-style lookup) then scale
    sqrt_ab = jnp.take(sqrt_alpha_bar, t, axis=0).reshape((-1,) + (1,) * (x0.ndim - 1))
    sqrt_oab = jnp.take(sqrt_one_minus_alpha_bar, t, axis=0).reshape((-1,) + (1,) * (x0.ndim - 1))
    xt = sqrt_ab * x0 + sqrt_oab * noise
    return (xt, noise)

if __name__ == "__main__":
    import jax
    _d = setup_inputs()
    print(jax.jit(kernel)(*tuple(_d.values())))

</pallas_src>

<mosaic_0001>
#map = affine_map<(d0, d1) -> (0, 0)>
#map1 = affine_map<(d0, d1) -> (0)>
module attributes {stable_mosaic.version = 14 : i64} {
  func.func @_sc_qsample(%arg0: i32, %arg1: i32, %arg2: memref<16384x128xf32, #tpu.memory_space<hbm>>, %arg3: memref<16384x128xf32, #tpu.memory_space<hbm>>, %arg4: memref<16384xi32, #tpu.memory_space<hbm>>, %arg5: memref<1000xf32, #tpu.memory_space<hbm>>, %arg6: memref<1000xf32, #tpu.memory_space<hbm>>, %arg7: memref<16384x128xf32, #tpu.memory_space<hbm>>, %arg8: memref<16384x128xf32, #tpu.memory_space<hbm>>, %arg9: memref<1000xf32, #tpu.memory_space<vmem>>, %arg10: memref<1000xf32, #tpu.memory_space<vmem>>, %arg11: memref<512xi32, #tpu.memory_space<vmem>>, %arg12: memref<512xf32, #tpu.memory_space<vmem>>, %arg13: memref<512xf32, #tpu.memory_space<vmem>>, %arg14: memref<128x128xf32, #tpu.memory_space<vmem>>, %arg15: memref<128x128xf32, #tpu.memory_space<vmem>>, %arg16: memref<128x128xf32, #tpu.memory_space<vmem>>, %arg17: memref<128x128xf32, #tpu.memory_space<vmem>>, %arg18: memref<128x128xf32, #tpu.memory_space<vmem>>, %arg19: memref<128x128xf32, #tpu.memory_space<vmem>>, %arg20: memref<!tpu.dma_semaphore, #tpu.memory_space<semaphore_mem>>, %arg21: memref<!tpu.dma_semaphore, #tpu.memory_space<semaphore_mem>>, %arg22: memref<!tpu.dma_semaphore, #tpu.memory_space<semaphore_mem>>, %arg23: memref<!tpu.dma_semaphore, #tpu.memory_space<semaphore_mem>>, %arg24: memref<!tpu.dma_semaphore, #tpu.memory_space<semaphore_mem>>, %arg25: memref<!tpu.dma_semaphore, #tpu.memory_space<semaphore_mem>>, %arg26: memref<!tpu.dma_semaphore, #tpu.memory_space<semaphore_mem>>, %arg27: memref<!tpu.dma_semaphore, #tpu.memory_space<semaphore_mem>>) attributes {dimension_semantics = [#tpu.dimension_semantics<core_parallel>, #tpu.dimension_semantics<subcore_parallel>], iteration_bounds = array<i64: 2, 16>, scalar_prefetch = 0 : i64, scratch_operands = 19 : i64, tpu.core_type = #tpu.core_type<sc_vector_subcore>, window_params = [{transform_indices = #map}, {transform_indices = #map}, {transform_indices = #map1}, {transform_indices = #map1}, {transform_indices = #map1}, {transform_indices = #map}, {transform_indices = #map}]} {
    %mul3A = arith.constant 2 : i32
    %mul3A_0 = arith.muli %arg1, %mul3A : i32
    %add3A = arith.addi %mul3A_0, %arg0 : i32
    %mul3A_1 = arith.constant 512 : i32
    %mul3A_2 = arith.muli %add3A, %mul3A_1 : i32
    %add3A_3 = arith.constant 0 : i32
    %add3A_4 = arith.addi %mul3A_2, %add3A_3 : i32
    %dma_start3A = arith.constant 0 : i32
    %dma_start3A_5 = tpu.memref_slice %arg2[%add3A_4, %dma_start3A] : memref<16384x128xf32, #tpu.memory_space<hbm>> -> memref<128x128xf32, #tpu.memory_space<hbm>>
    %dma_start3A_6 = arith.constant 0 : i32
    %dma_start3A_7 = tpu.memref_slice %arg2[%add3A_4, %dma_start3A_6] : memref<16384x128xf32, #tpu.memory_space<hbm>> -> memref<128x128xf32, #tpu.memory_space<hbm>>
    tpu.enqueue_dma source(%dma_start3A_7 : memref<128x128xf32, #tpu.memory_space<hbm>>) target(%arg14 : memref<128x128xf32, #tpu.memory_space<vmem>>) target_semaphore(%arg20 : memref<!tpu.dma_semaphore, #tpu.memory_space<semaphore_mem>>)
    %add3A_8 = arith.constant 0 : i32
    %add3A_9 = arith.addi %mul3A_2, %add3A_8 : i32
    %dma_start3A_10 = arith.constant 0 : i32
    %dma_start3A_11 = tpu.memref_slice %arg3[%add3A_9, %dma_start3A_10] : memref<16384x128xf32, #tpu.memory_space<hbm>> -> memref<128x128xf32, #tpu.memory_space<hbm>>
    %dma_start3A_12 = arith.constant 0 : i32
    %dma_start3A_13 = tpu.memref_slice %arg3[%add3A_9, %dma_start3A_12] : memref<16384x128xf32, #tpu.memory_space<hbm>> -> memref<128x128xf32, #tpu.memory_space<hbm>>
    tpu.enqueue_dma source(%dma_start3A_13 : memref<128x128xf32, #tpu.memory_space<hbm>>) target(%arg16 : memref<128x128xf32, #tpu.memory_space<vmem>>) target_semaphore(%arg22 : memref<!tpu.dma_semaphore, #tpu.memory_space<semaphore_mem>>)
    %add3A_14 = arith.constant 128 : i32
    %add3A_15 = arith.addi %mul3A_2, %add3A_14 : i32
    %dma_start3A_16 = arith.constant 0 : i32
    %dma_start3A_17 = tpu.memref_slice %arg2[%add3A_15, %dma_start3A_16] : memref<16384x128xf32, #tpu.memory_space<hbm>> -> memref<128x128xf32, #tpu.memory_space<hbm>>
    %dma_start3A_18 = arith.constant 0 : i32
    %dma_start3A_19 = tpu.memref_slice %arg2[%add3A_15, %dma_start3A_18] : memref<16384x128xf32, #tpu.memory_space<hbm>> -> memref<128x128xf32, #tpu.memory_space<hbm>>
    tpu.enqueue_dma source(%dma_start3A_19 : memref<128x128xf32, #tpu.memory_space<hbm>>) target(%arg15 : memref<128x128xf32, #tpu.memory_space<vmem>>) target_semaphore(%arg21 : memref<!tpu.dma_semaphore, #tpu.memory_space<semaphore_mem>>)
    %add3A_20 = arith.constant 128 : i32
    %add3A_21 = arith.addi %mul3A_2, %add3A_20 : i32
    %dma_start3A_22 = arith.constant 0 : i32
    %dma_start3A_23 = tpu.memref_slice %arg3[%add3A_21, %dma_start3A_22] : memref<16384x128xf32, #tpu.memory_space<hbm>> -> memref<128x128xf32, #tpu.memory_space<hbm>>
    %dma_start3A_24 = arith.constant 0 : i32
    %dma_start3A_25 = tpu.memref_slice %arg3[%add3A_21, %dma_start3A_24] : memref<16384x128xf32, #tpu.memory_space<hbm>> -> memref<128x128xf32, #tpu.memory_space<hbm>>
    tpu.enqueue_dma source(%dma_start3A_25 : memref<128x128xf32, #tpu.memory_space<hbm>>) target(%arg17 : memref<128x128xf32, #tpu.memory_space<vmem>>) target_semaphore(%arg23 : memref<!tpu.dma_semaphore, #tpu.memory_space<semaphore_mem>>)
    "tpu.region"() ({
      %run_scoped3A = tpu.sem_alloc : memref<!tpu.dma_semaphore, #tpu.memory_space<semaphore_mem>>
      tpu.enqueue_dma source(%arg5 : memref<1000xf32, #tpu.memory_space<hbm>>) target(%arg9 : memref<1000xf32, #tpu.memory_space<vmem>>) target_semaphore(%run_scoped3A : memref<!tpu.dma_semaphore, #tpu.memory_space<semaphore_mem>>)
      tpu.wait_dma2 semaphore(%run_scoped3A : memref<!tpu.dma_semaphore, #tpu.memory_space<semaphore_mem>>) src(%arg5 : memref<1000xf32, #tpu.memory_space<hbm>>) dst(%arg9 : memref<1000xf32, #tpu.memory_space<vmem>>)
      tpu.yield
    }) : () -> ()
    "tpu.region"() ({
      %run_scoped3A = tpu.sem_alloc : memref<!tpu.dma_semaphore, #tpu.memory_space<semaphore_mem>>
      tpu.enqueue_dma source(%arg6 : memref<1000xf32, #tpu.memory_space<hbm>>) target(%arg10 : memref<1000xf32, #tpu.memory_space<vmem>>) target_semaphore(%run_scoped3A : memref<!tpu.dma_semaphore, #tpu.memory_space<semaphore_mem>>)
      tpu.wait_dma2 semaphore(%run_scoped3A : memref<!tpu.dma_semaphore, #tpu.memory_space<semaphore_mem>>) src(%arg6 : memref<1000xf32, #tpu.memory_space<hbm>>) dst(%arg10 : memref<1000xf32, #tpu.memory_space<vmem>>)
      tpu.yield
    }) : () -> ()
    "tpu.region"() ({
      %run_scoped3A = tpu.sem_alloc : memref<!tpu.dma_semaphore, #tpu.memory_space<semaphore_mem>>
      %dma_start3A_47 = tpu.memref_slice %arg4[%mul3A_2] : memref<16384xi32, #tpu.memory_space<hbm>> -> memref<512xi32, #tpu.memory_space<hbm>>
      %dma_start3A_48 = tpu.memref_slice %arg4[%mul3A_2] : memref<16384xi32, #tpu.memory_space<hbm>> -> memref<512xi32, #tpu.memory_space<hbm>>
      tpu.enqueue_dma source(%dma_start3A_48 : memref<512xi32, #tpu.memory_space<hbm>>) target(%arg11 : memref<512xi32, #tpu.memory_space<vmem>>) target_semaphore(%run_scoped3A : memref<!tpu.dma_semaphore, #tpu.memory_space<semaphore_mem>>)
      %dma_wait3A_49 = tpu.memref_slice %arg4[%mul3A_2] : memref<16384xi32, #tpu.memory_space<hbm>> -> memref<512xi32, #tpu.memory_space<hbm>>
      %dma_wait3A_50 = tpu.memref_slice %arg4[%mul3A_2] : memref<16384xi32, #tpu.memory_space<hbm>> -> memref<512xi32, #tpu.memory_space<hbm>>
      tpu.wait_dma2 semaphore(%run_scoped3A : memref<!tpu.dma_semaphore, #tpu.memory_space<semaphore_mem>>) src(%dma_wait3A_50 : memref<512xi32, #tpu.memory_space<hbm>>) dst(%arg11 : memref<512xi32, #tpu.memory_space<vmem>>)
      tpu.yield
    }) : () -> ()
    %parallel_loop3A = arith.constant 0 : i32
    %parallel_loop3A_26 = arith.constant 32 : i32
    %parallel_loop3A_27 = arith.constant 1 : i32
    scf.for %parallel_loop3A_47 = %parallel_loop3A to %parallel_loop3A_26 step %parallel_loop3A_27  : i32 {
      %parallel_loop3A_48 = arith.constant 16 : i32
      %parallel_loop3A_49 = arith.muli %parallel_loop3A_47, %parallel_loop3A_48 : i32
      %parallel_loop3A_50 = arith.index_cast %parallel_loop3A_49 : i32 to index
      %parallel_loop3A_51 = tpu.vector_load %arg11[%parallel_loop3A_50] {strides = array<i32>} : memref<512xi32, #tpu.memory_space<vmem>>, vector<16xi32>,
      %parallel_loop3A_52 = tpu.vector_load_idx %arg9[%parallel_loop3A_51] : memref<1000xf32, #tpu.memory_space<vmem>>[vector<16xi32>], vector<16xf32>,
      %parallel_loop3A_53 = arith.constant 16 : i32
      %parallel_loop3A_54 = arith.muli %parallel_loop3A_47, %parallel_loop3A_53 : i32
      %parallel_loop3A_55 = arith.index_cast %parallel_loop3A_54 : i32 to index
      %parallel_loop3A_56 = tpu.vector_load %arg12[%parallel_loop3A_55] {strides = array<i32>} : memref<512xf32, #tpu.memory_space<vmem>>, vector<16xf32>,
      tpu.vector_store %arg12[%parallel_loop3A_55], %parallel_loop3A_52 {strides = array<i32>} : memref<512xf32, #tpu.memory_space<vmem>>, vector<16xf32>,
      %parallel_loop3A_57 = tpu.vector_load_idx %arg10[%parallel_loop3A_51] : memref<1000xf32, #tpu.memory_space<vmem>>[vector<16xi32>], vector<16xf32>,
      %parallel_loop3A_58 = arith.constant 16 : i32
      %parallel_loop3A_59 = arith.muli %parallel_loop3A_47, %parallel_loop3A_58 : i32
      %parallel_loop3A_60 = arith.index_cast %parallel_loop3A_59 : i32 to index
      %parallel_loop3A_61 = tpu.vector_load %arg13[%parallel_loop3A_60] {strides = array<i32>} : memref<512xf32, #tpu.memory_space<vmem>>, vector<16xf32>,
      tpu.vector_store %arg13[%parallel_loop3A_60], %parallel_loop3A_57 {strides = array<i32>} : memref<512xf32, #tpu.memory_space<vmem>>, vector<16xf32>,
    } {sc.loop_unroll_factor = 2 : i64, sc.parallel_access}
    %scan3A = arith.constant 0 : i32
    %scan3A_28 = arith.constant 2 : i32
    %scan3A_29 = arith.addi %scan3A, %scan3A_28 : i32
    %scan3A_30 = arith.constant 1 : i32
    scf.for %scan3A_47 = %scan3A to %scan3A_29 step %scan3A_30  : i32 {
      %mul3A_48 = arith.constant 1 : i32
      %mul3A_49 = arith.muli %scan3A_47, %mul3A_48 : i32
      %add3A_50 = arith.constant 0 : i32
      %add3A_51 = arith.addi %add3A_50, %mul3A_49 : i32
      %mul3A_52 = arith.constant 2 : i32
      %mul3A_53 = arith.muli %add3A_51, %mul3A_52 : i32
      %add3A_54 = arith.constant 1 : i32
      %add3A_55 = arith.addi %mul3A_53, %add3A_54 : i32
      %dma_wait3A_56 = arith.constant 0 : i32
      %dma_wait3A_57 = tpu.memref_slice %arg2[%mul3A_2, %dma_wait3A_56] : memref<16384x128xf32, #tpu.memory_space<hbm>> -> memref<128x128xf32, #tpu.memory_space<hbm>>
      %dma_wait3A_58 = arith.constant 0 : i32
      %dma_wait3A_59 = tpu.memref_slice %arg2[%mul3A_2, %dma_wait3A_58] : memref<16384x128xf32, #tpu.memory_space<hbm>> -> memref<128x128xf32, #tpu.memory_space<hbm>>
      tpu.wait_dma2 semaphore(%arg20 : memref<!tpu.dma_semaphore, #tpu.memory_space<semaphore_mem>>) src(%dma_wait3A_59 : memref<128x128xf32, #tpu.memory_space<hbm>>) dst(%arg14 : memref<128x128xf32, #tpu.memory_space<vmem>>)
      %dma_wait3A_60 = arith.constant 0 : i32
      %dma_wait3A_61 = tpu.memref_slice %arg3[%mul3A_2, %dma_wait3A_60] : memref<16384x128xf32, #tpu.memory_space<hbm>> -> memref<128x128xf32, #tpu.memory_space<hbm>>
      %dma_wait3A_62 = arith.constant 0 : i32
      %dma_wait3A_63 = tpu.memref_slice %arg3[%mul3A_2, %dma_wait3A_62] : memref<16384x128xf32, #tpu.memory_space<hbm>> -> memref<128x128xf32, #tpu.memory_space<hbm>>
      tpu.wait_dma2 semaphore(%arg22 : memref<!tpu.dma_semaphore, #tpu.memory_space<semaphore_mem>>) src(%dma_wait3A_63 : memref<128x128xf32, #tpu.memory_space<hbm>>) dst(%arg16 : memref<128x128xf32, #tpu.memory_space<vmem>>)
      %mul3A_64 = arith.constant 128 : i32
      %mul3A_65 = arith.muli %mul3A_53, %mul3A_64 : i32
      %add3A_66 = arith.addi %mul3A_2, %mul3A_65 : i32
      %dma_start3A_67 = arith.constant 0 : i32
      %dma_start3A_68 = tpu.memref_slice %arg8[%add3A_66, %dma_start3A_67] : memref<16384x128xf32, #tpu.memory_space<hbm>> -> memref<128x128xf32, #tpu.memory_space<hbm>>
      %dma_start3A_69 = arith.constant 0 : i32
      %dma_start3A_70 = tpu.memref_slice %arg8[%add3A_66, %dma_start3A_69] : memref<16384x128xf32, #tpu.memory_space<hbm>> -> memref<128x128xf32, #tpu.memory_space<hbm>>
      tpu.enqueue_dma source(%arg16 : memref<128x128xf32, #tpu.memory_space<vmem>>) target(%dma_start3A_70 : memref<128x128xf32, #tpu.memory_space<hbm>>) target_semaphore(%arg26 : memref<!tpu.dma_semaphore, #tpu.memory_space<semaphore_mem>>)
      %ge3A = arith.constant 1 : i32
      %ge3A_71 = arith.cmpi sge, %add3A_51, %ge3A : i32
      %convert_element_type3A = arith.extui %ge3A_71 : i1 to i32
      %cond3A = arith.constant 0 : i32
      %cond3A_72 = arith.cmpi ne, %convert_element_type3A, %cond3A : i32
      scf.if %cond3A_72 {
        %dma_wait3A_122 = arith.constant 0 : i32
        %dma_wait3A_123 = tpu.memref_slice %arg7[%mul3A_2, %dma_wait3A_122] : memref<16384x128xf32, #tpu.memory_space<hbm>> -> memref<128x128xf32, #tpu.memory_space<hbm>>
        %dma_wait3A_124 = arith.constant 0 : i32
        %dma_wait3A_125 = tpu.memref_slice %arg7[%mul3A_2, %dma_wait3A_124] : memref<16384x128xf32, #tpu.memory_space<hbm>> -> memref<128x128xf32, #tpu.memory_space<hbm>>
        tpu.wait_dma2 semaphore(%arg24 : memref<!tpu.dma_semaphore, #tpu.memory_space<semaphore_mem>>) src(%arg18 : memref<128x128xf32, #tpu.memory_space<vmem>>) dst(%dma_wait3A_125 : memref<128x128xf32, #tpu.memory_space<hbm>>)
      } else {
      }
      %parallel_loop3A_73 = arith.constant 0 : i32
      %parallel_loop3A_74 = arith.constant 128 : i32
      %parallel_loop3A_75 = arith.constant 1 : i32
      scf.for %parallel_loop3A_122 = %parallel_loop3A_73 to %parallel_loop3A_74 step %parallel_loop3A_75  : i32 {
        %parallel_loop3A_123 = arith.constant 0 : i32
        %parallel_loop3A_124 = vector.broadcast %parallel_loop3A_123 : i32 to vector<16xi32>
        %parallel_loop3A_125 = arith.constant 128 : i32
        %parallel_loop3A_126 = arith.muli %mul3A_53, %parallel_loop3A_125 : i32
        %parallel_loop3A_127 = arith.addi %parallel_loop3A_126, %parallel_loop3A_122 : i32
        %parallel_loop3A_128 = vector.broadcast %parallel_loop3A_127 : i32 to vector<16xi32>
        %parallel_loop3A_129 = arith.addi %parallel_loop3A_124, %parallel_loop3A_128 : vector<16xi32>
        %parallel_loop3A_130 = tpu.vector_load_idx %arg12[%parallel_loop3A_129] : memref<512xf32, #tpu.memory_space<vmem>>[vector<16xi32>], vector<16xf32>,
        %parallel_loop3A_131 = tpu.vector_load_idx %arg13[%parallel_loop3A_129] : memref<512xf32, #tpu.memory_space<vmem>>[vector<16xi32>], vector<16xf32>,
        %parallel_loop3A_132 = arith.index_cast %parallel_loop3A_122 : i32 to index
        %parallel_loop3A_133 = arith.constant 0 : index
        %parallel_loop3A_134 = tpu.vector_load %arg14[%parallel_loop3A_132, %parallel_loop3A_133] {strides = array<i32>} : memref<128x128xf32, #tpu.memory_space<vmem>>, vector<16xf32>,
        %parallel_loop3A_135 = arith.mulf %parallel_loop3A_130, %parallel_loop3A_134 : vector<16xf32>
        %parallel_loop3A_136 = arith.index_cast %parallel_loop3A_122 : i32 to index
        %parallel_loop3A_137 = arith.constant 0 : index
        %parallel_loop3A_138 = tpu.vector_load %arg16[%parallel_loop3A_136, %parallel_loop3A_137] {strides = array<i32>} : memref<128x128xf32, #tpu.memory_space<vmem>>, vector<16xf32>,
        %parallel_loop3A_139 = arith.mulf %parallel_loop3A_131, %parallel_loop3A_138 : vector<16xf32>
        %parallel_loop3A_140 = arith.addf %parallel_loop3A_135, %parallel_loop3A_139 : vector<16xf32>
        %parallel_loop3A_141 = arith.index_cast %parallel_loop3A_122 : i32 to index
        %parallel_loop3A_142 = arith.constant 0 : index
        %parallel_loop3A_143 = tpu.vector_load %arg18[%parallel_loop3A_141, %parallel_loop3A_142] {strides = array<i32>} : memref<128x128xf32, #tpu.memory_space<vmem>>, vector<16xf32>,
        tpu.vector_store %arg18[%parallel_loop3A_141, %parallel_loop3A_142], %parallel_loop3A_140 {strides = array<i32>} : memref<128x128xf32, #tpu.memory_space<vmem>>, vector<16xf32>,
        %parallel_loop3A_144 = arith.index_cast %parallel_loop3A_122 : i32 to index
        %parallel_loop3A_145 = arith.constant 16 : index
        %parallel_loop3A_146 = tpu.vector_load %arg14[%parallel_loop3A_144, %parallel_loop3A_145] {strides = array<i32>} : memref<128x128xf32, #tpu.memory_space<vmem>>, vector<16xf32>,
        %parallel_loop3A_147 = arith.mulf %parallel_loop3A_130, %parallel_loop3A_146 : vector<16xf32>
        %parallel_loop3A_148 = arith.index_cast %parallel_loop3A_122 : i32 to index
        %parallel_loop3A_149 = arith.constant 16 : index
        %parallel_loop3A_150 = tpu.vector_load %arg16[%parallel_loop3A_148, %parallel_loop3A_149] {strides = array<i32>} : memref<128x128xf32, #tpu.memory_space<vmem>>, vector<16xf32>,
        %parallel_loop3A_151 = arith.mulf %parallel_loop3A_131, %parallel_loop3A_150 : vector<16xf32>
        %parallel_loop3A_152 = arith.addf %parallel_loop3A_147, %parallel_loop3A_151 : vector<16xf32>
        %parallel_loop3A_153 = arith.index_cast %parallel_loop3A_122 : i32 to index
        %parallel_loop3A_154 = arith.constant 16 : index
        %parallel_loop3A_155 = tpu.vector_load %arg18[%parallel_loop3A_153, %parallel_loop3A_154] {strides = array<i32>} : memref<128x128xf32, #tpu.memory_space<vmem>>, vector<16xf32>,
        tpu.vector_store %arg18[%parallel_loop3A_153, %parallel_loop3A_154], %parallel_loop3A_152 {strides = array<i32>} : memref<128x128xf32, #tpu.memory_space<vmem>>, vector<16xf32>,
        %parallel_loop3A_156 = arith.index_cast %parallel_loop3A_122 : i32 to index
        %parallel_loop3A_157 = arith.constant 32 : index
        %parallel_loop3A_158 = tpu.vector_load %arg14[%parallel_loop3A_156, %parallel_loop3A_157] {strides = array<i32>} : memref<128x128xf32, #tpu.memory_space<vmem>>, vector<16xf32>,
        %parallel_loop3A_159 = arith.mulf %parallel_loop3A_130, %parallel_loop3A_158 : vector<16xf32>
        %parallel_loop3A_160 = arith.index_cast %parallel_loop3A_122 : i32 to index
        %parallel_loop3A_161 = arith.constant 32 : index
        %parallel_loop3A_162 = tpu.vector_load %arg16[%parallel_loop3A_160, %parallel_loop3A_161] {strides = array<i32>} : memref<128x128xf32, #tpu.memory_space<vmem>>, vector<16xf32>,
        %parallel_loop3A_163 = arith.mulf %parallel_loop3A_131, %parallel_loop3A_162 : vector<16xf32>
        %parallel_loop3A_164 = arith.addf %parallel_loop3A_159, %parallel_loop3A_163 : vector<16xf32>
        %parallel_loop3A_165 = arith.index_cast %parallel_loop3A_122 : i32 to index
        %parallel_loop3A_166 = arith.constant 32 : index
        %parallel_loop3A_167 = tpu.vector_load %arg18[%parallel_loop3A_165, %parallel_loop3A_166] {strides = array<i32>} : memref<128x128xf32, #tpu.memory_space<vmem>>, vector<16xf32>,
        tpu.vector_store %arg18[%parallel_loop3A_165, %parallel_loop3A_166], %parallel_loop3A_164 {strides = array<i32>} : memref<128x128xf32, #tpu.memory_space<vmem>>, vector<16xf32>,
        %parallel_loop3A_168 = arith.index_cast %parallel_loop3A_122 : i32 to index
        %parallel_loop3A_169 = arith.constant 48 : index
        %parallel_loop3A_170 = tpu.vector_load %arg14[%parallel_loop3A_168, %parallel_loop3A_169] {strides = array<i32>} : memref<128x128xf32, #tpu.memory_space<vmem>>, vector<16xf32>,
        %parallel_loop3A_171 = arith.mulf %parallel_loop3A_130, %parallel_loop3A_170 : vector<16xf32>
        %parallel_loop3A_172 = arith.index_cast %parallel_loop3A_122 : i32 to index
        %parallel_loop3A_173 = arith.constant 48 : index
        %parallel_loop3A_174 = tpu.vector_load %arg16[%parallel_loop3A_172, %parallel_loop3A_173] {strides = array<i32>} : memref<128x128xf32, #tpu.memory_space<vmem>>, vector<16xf32>,
        %parallel_loop3A_175 = arith.mulf %parallel_loop3A_131, %parallel_loop3A_174 : vector<16xf32>
        %parallel_loop3A_176 = arith.addf %parallel_loop3A_171, %parallel_loop3A_175 : vector<16xf32>
        %parallel_loop3A_177 = arith.index_cast %parallel_loop3A_122 : i32 to index
        %parallel_loop3A_178 = arith.constant 48 : index
        %parallel_loop3A_179 = tpu.vector_load %arg18[%parallel_loop3A_177, %parallel_loop3A_178] {strides = array<i32>} : memref<128x128xf32, #tpu.memory_space<vmem>>, vector<16xf32>,
        tpu.vector_store %arg18[%parallel_loop3A_177, %parallel_loop3A_178], %parallel_loop3A_176 {strides = array<i32>} : memref<128x128xf32, #tpu.memory_space<vmem>>, vector<16xf32>,
        %parallel_loop3A_180 = arith.index_cast %parallel_loop3A_122 : i32 to index
        %parallel_loop3A_181 = arith.constant 64 : index
        %parallel_loop3A_182 = tpu.vector_load %arg14[%parallel_loop3A_180, %parallel_loop3A_181] {strides = array<i32>} : memref<128x128xf32, #tpu.memory_space<vmem>>, vector<16xf32>,
        %parallel_loop3A_183 = arith.mulf %parallel_loop3A_130, %parallel_loop3A_182 : vector<16xf32>
        %parallel_loop3A_184 = arith.index_cast %parallel_loop3A_122 : i32 to index
        %parallel_loop3A_185 = arith.constant 64 : index
        %parallel_loop3A_186 = tpu.vector_load %arg16[%parallel_loop3A_184, %parallel_loop3A_185] {strides = array<i32>} : memref<128x128xf32, #tpu.memory_space<vmem>>, vector<16xf32>,
        %parallel_loop3A_187 = arith.mulf %parallel_loop3A_131, %parallel_loop3A_186 : vector<16xf32>
        %parallel_loop3A_188 = arith.addf %parallel_loop3A_183, %parallel_loop3A_187 : vector<16xf32>
        %parallel_loop3A_189 = arith.index_cast %parallel_loop3A_122 : i32 to index
        %parallel_loop3A_190 = arith.constant 64 : index
        %parallel_loop3A_191 = tpu.vector_load %arg18[%parallel_loop3A_189, %parallel_loop3A_190] {strides = array<i32>} : memref<128x128xf32, #tpu.memory_space<vmem>>, vector<16xf32>,
        tpu.vector_store %arg18[%parallel_loop3A_189, %parallel_loop3A_190], %parallel_loop3A_188 {strides = array<i32>} : memref<128x128xf32, #tpu.memory_space<vmem>>, vector<16xf32>,
        %parallel_loop3A_192 = arith.index_cast %parallel_loop3A_122 : i32 to index
        %parallel_loop3A_193 = arith.constant 80 : index
        %parallel_loop3A_194 = tpu.vector_load %arg14[%parallel_loop3A_192, %parallel_loop3A_193] {strides = array<i32>} : memref<128x128xf32, #tpu.memory_space<vmem>>, vector<16xf32>,
        %parallel_loop3A_195 = arith.mulf %parallel_loop3A_130, %parallel_loop3A_194 : vector<16xf32>
        %parallel_loop3A_196 = arith.index_cast %parallel_loop3A_122 : i32 to index
        %parallel_loop3A_197 = arith.constant 80 : index
        %parallel_loop3A_198 = tpu.vector_load %arg16[%parallel_loop3A_196, %parallel_loop3A_197] {strides = array<i32>} : memref<128x128xf32, #tpu.memory_space<vmem>>, vector<16xf32>,
        %parallel_loop3A_199 = arith.mulf %parallel_loop3A_131, %parallel_loop3A_198 : vector<16xf32>
        %parallel_loop3A_200 = arith.addf %parallel_loop3A_195, %parallel_loop3A_199 : vector<16xf32>
        %parallel_loop3A_201 = arith.index_cast %parallel_loop3A_122 : i32 to index
        %parallel_loop3A_202 = arith.constant 80 : index
        %parallel_loop3A_203 = tpu.vector_load %arg18[%parallel_loop3A_201, %parallel_loop3A_202] {strides = array<i32>} : memref<128x128xf32, #tpu.memory_space<vmem>>, vector<16xf32>,
        tpu.vector_store %arg18[%parallel_loop3A_201, %parallel_loop3A_202], %parallel_loop3A_200 {strides = array<i32>} : memref<128x128xf32, #tpu.memory_space<vmem>>, vector<16xf32>,
        %parallel_loop3A_204 = arith.index_cast %parallel_loop3A_122 : i32 to index
        %parallel_loop3A_205 = arith.constant 96 : index
        %parallel_loop3A_206 = tpu.vector_load %arg14[%parallel_loop3A_204, %parallel_loop3A_205] {strides = array<i32>} : memref<128x128xf32, #tpu.memory_space<vmem>>, vector<16xf32>,
        %parallel_loop3A_207 = arith.mulf %parallel_loop3A_130, %parallel_loop3A_206 : vector<16xf32>
        %parallel_loop3A_208 = arith.index_cast %parallel_loop3A_122 : i32 to index
        %parallel_loop3A_209 = arith.constant 96 : index
        %parallel_loop3A_210 = tpu.vector_load %arg16[%parallel_loop3A_208, %parallel_loop3A_209] {strides = array<i32>} : memref<128x128xf32, #tpu.memory_space<vmem>>, vector<16xf32>,
        %parallel_loop3A_211 = arith.mulf %parallel_loop3A_131, %parallel_loop3A_210 : vector<16xf32>
        %parallel_loop3A_212 = arith.addf %parallel_loop3A_207, %parallel_loop3A_211 : vector<16xf32>
        %parallel_loop3A_213 = arith.index_cast %parallel_loop3A_122 : i32 to index
        %parallel_loop3A_214 = arith.constant 96 : index
        %parallel_loop3A_215 = tpu.vector_load %arg18[%parallel_loop3A_213, %parallel_loop3A_214] {strides = array<i32>} : memref<128x128xf32, #tpu.memory_space<vmem>>, vector<16xf32>,
        tpu.vector_store %arg18[%parallel_loop3A_213, %parallel_loop3A_214], %parallel_loop3A_212 {strides = array<i32>} : memref<128x128xf32, #tpu.memory_space<vmem>>, vector<16xf32>,
        %parallel_loop3A_216 = arith.index_cast %parallel_loop3A_122 : i32 to index
        %parallel_loop3A_217 = arith.constant 112 : index
        %parallel_loop3A_218 = tpu.vector_load %arg14[%parallel_loop3A_216, %parallel_loop3A_217] {strides = array<i32>} : memref<128x128xf32, #tpu.memory_space<vmem>>, vector<16xf32>,
        %parallel_loop3A_219 = arith.mulf %parallel_loop3A_130, %parallel_loop3A_218 : vector<16xf32>
        %parallel_loop3A_220 = arith.index_cast %parallel_loop3A_122 : i32 to index
        %parallel_loop3A_221 = arith.constant 112 : index
        %parallel_loop3A_222 = tpu.vector_load %arg16[%parallel_loop3A_220, %parallel_loop3A_221] {strides = array<i32>} : memref<128x128xf32, #tpu.memory_space<vmem>>, vector<16xf32>,
        %parallel_loop3A_223 = arith.mulf %parallel_loop3A_131, %parallel_loop3A_222 : vector<16xf32>
        %parallel_loop3A_224 = arith.addf %parallel_loop3A_219, %parallel_loop3A_223 : vector<16xf32>
        %parallel_loop3A_225 = arith.index_cast %parallel_loop3A_122 : i32 to index
        %parallel_loop3A_226 = arith.constant 112 : index
        %parallel_loop3A_227 = tpu.vector_load %arg18[%parallel_loop3A_225, %parallel_loop3A_226] {strides = array<i32>} : memref<128x128xf32, #tpu.memory_space<vmem>>, vector<16xf32>,
        tpu.vector_store %arg18[%parallel_loop3A_225, %parallel_loop3A_226], %parallel_loop3A_224 {strides = array<i32>} : memref<128x128xf32, #tpu.memory_space<vmem>>, vector<16xf32>,
      } {sc.loop_unroll_factor = 2 : i64, sc.parallel_access}
      %mul3A_76 = arith.constant 128 : i32
      %mul3A_77 = arith.muli %mul3A_53, %mul3A_76 : i32
      %add3A_78 = arith.addi %mul3A_2, %mul3A_77 : i32
      %dma_start3A_79 = arith.constant 0 : i32
      %dma_start3A_80 = tpu.memref_slice %arg7[%add3A_78, %dma_start3A_79] : memref<16384x128xf32, #tpu.memory_space<hbm>> -> memref<128x128xf32, #tpu.memory_space<hbm>>
      %dma_start3A_81 = arith.constant 0 : i32
      %dma_start3A_82 = tpu.memref_slice %arg7[%add3A_78, %dma_start3A_81] : memref<16384x128xf32, #tpu.memory_space<hbm>> -> memref<128x128xf32, #tpu.memory_space<hbm>>
      tpu.enqueue_dma source(%arg18 : memref<128x128xf32, #tpu.memory_space<vmem>>) target(%dma_start3A_82 : memref<128x128xf32, #tpu.memory_space<hbm>>) target_semaphore(%arg24 : memref<!tpu.dma_semaphore, #tpu.memory_space<semaphore_mem>>)
      %lt3A = arith.constant 1 : i32
      %lt3A_83 = arith.cmpi slt, %add3A_51, %lt3A : i32
      %convert_element_type3A_84 = arith.extui %lt3A_83 : i1 to i32
      %cond3A_85 = arith.constant 0 : i32
      %cond3A_86 = arith.cmpi ne, %convert_element_type3A_84, %cond3A_85 : i32
      scf.if %cond3A_86 {
        %dma_wait3A_122 = arith.constant 0 : i32
        %dma_wait3A_123 = tpu.memref_slice %arg8[%mul3A_2, %dma_wait3A_122] : memref<16384x128xf32, #tpu.memory_space<hbm>> -> memref<128x128xf32, #tpu.memory_space<hbm>>
        %dma_wait3A_124 = arith.constant 0 : i32
        %dma_wait3A_125 = tpu.memref_slice %arg8[%mul3A_2, %dma_wait3A_124] : memref<16384x128xf32, #tpu.memory_space<hbm>> -> memref<128x128xf32, #tpu.memory_space<hbm>>
        tpu.wait_dma2 semaphore(%arg26 : memref<!tpu.dma_semaphore, #tpu.memory_space<semaphore_mem>>) src(%arg16 : memref<128x128xf32, #tpu.memory_space<vmem>>) dst(%dma_wait3A_125 : memref<128x128xf32, #tpu.memory_space<hbm>>)
        %add3A_126 = arith.constant 2 : i32
        %add3A_127 = arith.addi %mul3A_53, %add3A_126 : i32
        %mul3A_128 = arith.constant 128 : i32
        %mul3A_129 = arith.muli %add3A_127, %mul3A_128 : i32
        %add3A_130 = arith.addi %mul3A_2, %mul3A_129 : i32
        %dma_start3A_131 = arith.constant 0 : i32
        %dma_start3A_132 = tpu.memref_slice %arg2[%add3A_130, %dma_start3A_131] : memref<16384x128xf32, #tpu.memory_space<hbm>> -> memref<128x128xf32, #tpu.memory_space<hbm>>
        %dma_start3A_133 = arith.constant 0 : i32
        %dma_start3A_134 = tpu.memref_slice %arg2[%add3A_130, %dma_start3A_133] : memref<16384x128xf32, #tpu.memory_space<hbm>> -> memref<128x128xf32, #tpu.memory_space<hbm>>
        tpu.enqueue_dma source(%dma_start3A_134 : memref<128x128xf32, #tpu.memory_space<hbm>>) target(%arg14 : memref<128x128xf32, #tpu.memory_space<vmem>>) target_semaphore(%arg20 : memref<!tpu.dma_semaphore, #tpu.memory_space<semaphore_mem>>)
        %mul3A_135 = arith.constant 128 : i32
        %mul3A_136 = arith.muli %add3A_127, %mul3A_135 : i32
        %add3A_137 = arith.addi %mul3A_2, %mul3A_136 : i32
        %dma_start3A_138 = arith.constant 0 : i32
        %dma_start3A_139 = tpu.memref_slice %arg3[%add3A_137, %dma_start3A_138] : memref<16384x128xf32, #tpu.memory_space<hbm>> -> memref<128x128xf32, #tpu.memory_space<hbm>>
        %dma_start3A_140 = arith.constant 0 : i32
        %dma_start3A_141 = tpu.memref_slice %arg3[%add3A_137, %dma_start3A_140] : memref<16384x128xf32, #tpu.memory_space<hbm>> -> memref<128x128xf32, #tpu.memory_space<hbm>>
        tpu.enqueue_dma source(%dma_start3A_141 : memref<128x128xf32, #tpu.memory_space<hbm>>) target(%arg16 : memref<128x128xf32, #tpu.memory_space<vmem>>) target_semaphore(%arg22 : memref<!tpu.dma_semaphore, #tpu.memory_space<semaphore_mem>>)
      } else {
      }
      %dma_wait3A_87 = arith.constant 0 : i32
      %dma_wait3A_88 = tpu.memref_slice %arg2[%mul3A_2, %dma_wait3A_87] : memref<16384x128xf32, #tpu.memory_space<hbm>> -> memref<128x128xf32, #tpu.memory_space<hbm>>
      %dma_wait3A_89 = arith.constant 0 : i32
      %dma_wait3A_90 = tpu.memref_slice %arg2[%mul3A_2, %dma_wait3A_89] : memref<16384x128xf32, #tpu.memory_space<hbm>> -> memref<128x128xf32, #tpu.memory_space<hbm>>
      tpu.wait_dma2 semaphore(%arg21 : memref<!tpu.dma_semaphore, #tpu.memory_space<semaphore_mem>>) src(%dma_wait3A_90 : memref<128x128xf32, #tpu.memory_space<hbm>>) dst(%arg15 : memref<128x128xf32, #tpu.memory_space<vmem>>)
      %dma_wait3A_91 = arith.constant 0 : i32
      %dma_wait3A_92 = tpu.memref_slice %arg3[%mul3A_2, %dma_wait3A_91] : memref<16384x128xf32, #tpu.memory_space<hbm>> -> memref<128x128xf32, #tpu.memory_space<hbm>>
      %dma_wait3A_93 = arith.constant 0 : i32
      %dma_wait3A_94 = tpu.memref_slice %arg3[%mul3A_2, %dma_wait3A_93] : memref<16384x128xf32, #tpu.memory_space<hbm>> -> memref<128x128xf32, #tpu.memory_space<hbm>>
      tpu.wait_dma2 semaphore(%arg23 : memref<!tpu.dma_semaphore, #tpu.memory_space<semaphore_mem>>) src(%dma_wait3A_94 : memref<128x128xf32, #tpu.memory_space<hbm>>) dst(%arg17 : memref<128x128xf32, #tpu.memory_space<vmem>>)
      %mul3A_95 = arith.constant 128 : i32
      %mul3A_96 = arith.muli %add3A_55, %mul3A_95 : i32
      %add3A_97 = arith.addi %mul3A_2, %mul3A_96 : i32
      %dma_start3A_98 = arith.constant 0 : i32
      %dma_start3A_99 = tpu.memref_slice %arg8[%add3A_97, %dma_start3A_98] : memref<16384x128xf32, #tpu.memory_space<hbm>> -> memref<128x128xf32, #tpu.memory_space<hbm>>
      %dma_start3A_100 = arith.constant 0 : i32
      %dma_start3A_101 = tpu.memref_slice %arg8[%add3A_97, %dma_start3A_100] : memref<16384x128xf32, #tpu.memory_space<hbm>> -> memref<128x128xf32, #tpu.memory_space<hbm>>
      tpu.enqueue_dma source(%arg17 : memref<128x128xf32, #tpu.memory_space<vmem>>) target(%dma_start3A_101 : memref<128x128xf32, #tpu.memory_space<hbm>>) target_semaphore(%arg27 : memref<!tpu.dma_semaphore, #tpu.memory_space<semaphore_mem>>)
      %ge3A_102 = arith.constant 1 : i32
      %ge3A_103 = arith.cmpi sge, %add3A_51, %ge3A_102 : i32
      %convert_element_type3A_104 = arith.extui %ge3A_103 : i1 to i32
      %cond3A_105 = arith.constant 0 : i32
      %cond3A_106 = arith.cmpi ne, %convert_element_type3A_104, %cond3A_105 : i32
      scf.if %cond3A_106 {
        %dma_wait3A_122 = arith.constant 0 : i32
        %dma_wait3A_123 = tpu.memref_slice %arg7[%mul3A_2, %dma_wait3A_122] : memref<16384x128xf32, #tpu.memory_space<hbm>> -> memref<128x128xf32, #tpu.memory_space<hbm>>
        %dma_wait3A_124 = arith.constant 0 : i32
        %dma_wait3A_125 = tpu.memref_slice %arg7[%mul3A_2, %dma_wait3A_124] : memref<16384x128xf32, #tpu.memory_space<hbm>> -> memref<128x128xf32, #tpu.memory_space<hbm>>
        tpu.wait_dma2 semaphore(%arg25 : memref<!tpu.dma_semaphore, #tpu.memory_space<semaphore_mem>>) src(%arg19 : memref<128x128xf32, #tpu.memory_space<vmem>>) dst(%dma_wait3A_125 : memref<128x128xf32, #tpu.memory_space<hbm>>)
      } else {
      }
      %parallel_loop3A_107 = arith.constant 0 : i32
      %parallel_loop3A_108 = arith.constant 128 : i32
      %parallel_loop3A_109 = arith.constant 1 : i32
      scf.for %parallel_loop3A_122 = %parallel_loop3A_107 to %parallel_loop3A_108 step %parallel_loop3A_109  : i32 {
        %parallel_loop3A_123 = arith.constant 0 : i32
        %parallel_loop3A_124 = vector.broadcast %parallel_loop3A_123 : i32 to vector<16xi32>
        %parallel_loop3A_125 = arith.constant 128 : i32
        %parallel_loop3A_126 = arith.muli %add3A_55, %parallel_loop3A_125 : i32
        %parallel_loop3A_127 = arith.addi %parallel_loop3A_126, %parallel_loop3A_122 : i32
        %parallel_loop3A_128 = vector.broadcast %parallel_loop3A_127 : i32 to vector<16xi32>
        %parallel_loop3A_129 = arith.addi %parallel_loop3A_124, %parallel_loop3A_128 : vector<16xi32>
        %parallel_loop3A_130 = tpu.vector_load_idx %arg12[%parallel_loop3A_129] : memref<512xf32, #tpu.memory_space<vmem>>[vector<16xi32>], vector<16xf32>,
        %parallel_loop3A_131 = tpu.vector_load_idx %arg13[%parallel_loop3A_129] : memref<512xf32, #tpu.memory_space<vmem>>[vector<16xi32>], vector<16xf32>,
        %parallel_loop3A_132 = arith.index_cast %parallel_loop3A_122 : i32 to index
        %parallel_loop3A_133 = arith.constant 0 : index
        %parallel_loop3A_134 = tpu.vector_load %arg15[%parallel_loop3A_132, %parallel_loop3A_133] {strides = array<i32>} : memref<128x128xf32, #tpu.memory_space<vmem>>, vector<16xf32>,
        %parallel_loop3A_135 = arith.mulf %parallel_loop3A_130, %parallel_loop3A_134 : vector<16xf32>
        %parallel_loop3A_136 = arith.index_cast %parallel_loop3A_122 : i32 to index
        %parallel_loop3A_137 = arith.constant 0 : index
        %parallel_loop3A_138 = tpu.vector_load %arg17[%parallel_loop3A_136, %parallel_loop3A_137] {strides = array<i32>} : memref<128x128xf32, #tpu.memory_space<vmem>>, vector<16xf32>,
        %parallel_loop3A_139 = arith.mulf %parallel_loop3A_131, %parallel_loop3A_138 : vector<16xf32>
        %parallel_loop3A_140 = arith.addf %parallel_loop3A_135, %parallel_loop3A_139 : vector<16xf32>
        %parallel_loop3A_141 = arith.index_cast %parallel_loop3A_122 : i32 to index
        %parallel_loop3A_142 = arith.constant 0 : index
        %parallel_loop3A_143 = tpu.vector_load %arg19[%parallel_loop3A_141, %parallel_loop3A_142] {strides = array<i32>} : memref<128x128xf32, #tpu.memory_space<vmem>>, vector<16xf32>,
        tpu.vector_store %arg19[%parallel_loop3A_141, %parallel_loop3A_142], %parallel_loop3A_140 {strides = array<i32>} : memref<128x128xf32, #tpu.memory_space<vmem>>, vector<16xf32>,
        %parallel_loop3A_144 = arith.index_cast %parallel_loop3A_122 : i32 to index
        %parallel_loop3A_145 = arith.constant 16 : index
        %parallel_loop3A_146 = tpu.vector_load %arg15[%parallel_loop3A_144, %parallel_loop3A_145] {strides = array<i32>} : memref<128x128xf32, #tpu.memory_space<vmem>>, vector<16xf32>,
        %parallel_loop3A_147 = arith.mulf %parallel_loop3A_130, %parallel_loop3A_146 : vector<16xf32>
        %parallel_loop3A_148 = arith.index_cast %parallel_loop3A_122 : i32 to index
        %parallel_loop3A_149 = arith.constant 16 : index
        %parallel_loop3A_150 = tpu.vector_load %arg17[%parallel_loop3A_148, %parallel_loop3A_149] {strides = array<i32>} : memref<128x128xf32, #tpu.memory_space<vmem>>, vector<16xf32>,
        %parallel_loop3A_151 = arith.mulf %parallel_loop3A_131, %parallel_loop3A_150 : vector<16xf32>
        %parallel_loop3A_152 = arith.addf %parallel_loop3A_147, %parallel_loop3A_151 : vector<16xf32>
        %parallel_loop3A_153 = arith.index_cast %parallel_loop3A_122 : i32 to index
        %parallel_loop3A_154 = arith.constant 16 : index
        %parallel_loop3A_155 = tpu.vector_load %arg19[%parallel_loop3A_153, %parallel_loop3A_154] {strides = array<i32>} : memref<128x128xf32, #tpu.memory_space<vmem>>, vector<16xf32>,
        tpu.vector_store %arg19[%parallel_loop3A_153, %parallel_loop3A_154], %parallel_loop3A_152 {strides = array<i32>} : memref<128x128xf32, #tpu.memory_space<vmem>>, vector<16xf32>,
        %parallel_loop3A_156 = arith.index_cast %parallel_loop3A_122 : i32 to index
        %parallel_loop3A_157 = arith.constant 32 : index
        %parallel_loop3A_158 = tpu.vector_load %arg15[%parallel_loop3A_156, %parallel_loop3A_157] {strides = array<i32>} : memref<128x128xf32, #tpu.memory_space<vmem>>, vector<16xf32>,
        %parallel_loop3A_159 = arith.mulf %parallel_loop3A_130, %parallel_loop3A_158 : vector<16xf32>
        %parallel_loop3A_160 = arith.index_cast %parallel_loop3A_122 : i32 to index
        %parallel_loop3A_161 = arith.constant 32 : index
        %parallel_loop3A_162 = tpu.vector_load %arg17[%parallel_loop3A_160, %parallel_loop3A_161] {strides = array<i32>} : memref<128x128xf32, #tpu.memory_space<vmem>>, vector<16xf32>,
        %parallel_loop3A_163 = arith.mulf %parallel_loop3A_131, %parallel_loop3A_162 : vector<16xf32>
        %parallel_loop3A_164 = arith.addf %parallel_loop3A_159, %parallel_loop3A_163 : vector<16xf32>
        %parallel_loop3A_165 = arith.index_cast %parallel_loop3A_122 : i32 to index
        %parallel_loop3A_166 = arith.constant 32 : index
        %parallel_loop3A_167 = tpu.vector_load %arg19[%parallel_loop3A_165, %parallel_loop3A_166] {strides = array<i32>} : memref<128x128xf32, #tpu.memory_space<vmem>>, vector<16xf32>,
        tpu.vector_store %arg19[%parallel_loop3A_165, %parallel_loop3A_166], %parallel_loop3A_164 {strides = array<i32>} : memref<128x128xf32, #tpu.memory_space<vmem>>, vector<16xf32>,
        %parallel_loop3A_168 = arith.index_cast %parallel_loop3A_122 : i32 to index
        %parallel_loop3A_169 = arith.constant 48 : index
        %parallel_loop3A_170 = tpu.vector_load %arg15[%parallel_loop3A_168, %parallel_loop3A_169] {strides = array<i32>} : memref<128x128xf32, #tpu.memory_space<vmem>>, vector<16xf32>,
        %parallel_loop3A_171 = arith.mulf %parallel_loop3A_130, %parallel_loop3A_170 : vector<16xf32>
        %parallel_loop3A_172 = arith.index_cast %parallel_loop3A_122 : i32 to index
        %parallel_loop3A_173 = arith.constant 48 : index
        %parallel_loop3A_174 = tpu.vector_load %arg17[%parallel_loop3A_172, %parallel_loop3A_173] {strides = array<i32>} : memref<128x128xf32, #tpu.memory_space<vmem>>, vector<16xf32>,
        %parallel_loop3A_175 = arith.mulf %parallel_loop3A_131, %parallel_loop3A_174 : vector<16xf32>
        %parallel_loop3A_176 = arith.addf %parallel_loop3A_171, %parallel_loop3A_175 : vector<16xf32>
        %parallel_loop3A_177 = arith.index_cast %parallel_loop3A_122 : i32 to index
        %parallel_loop3A_178 = arith.constant 48 : index
        %parallel_loop3A_179 = tpu.vector_load %arg19[%parallel_loop3A_177, %parallel_loop3A_178] {strides = array<i32>} : memref<128x128xf32, #tpu.memory_space<vmem>>, vector<16xf32>,
        tpu.vector_store %arg19[%parallel_loop3A_177, %parallel_loop3A_178], %parallel_loop3A_176 {strides = array<i32>} : memref<128x128xf32, #tpu.memory_space<vmem>>, vector<16xf32>,
        %parallel_loop3A_180 = arith.index_cast %parallel_loop3A_122 : i32 to index
        %parallel_loop3A_181 = arith.constant 64 : index
        %parallel_loop3A_182 = tpu.vector_load %arg15[%parallel_loop3A_180, %parallel_loop3A_181] {strides = array<i32>} : memref<128x128xf32, #tpu.memory_space<vmem>>, vector<16xf32>,
        %parallel_loop3A_183 = arith.mulf %parallel_loop3A_130, %parallel_loop3A_182 : vector<16xf32>
        %parallel_loop3A_184 = arith.index_cast %parallel_loop3A_122 : i32 to index
        %parallel_loop3A_185 = arith.constant 64 : index
        %parallel_loop3A_186 = tpu.vector_load %arg17[%parallel_loop3A_184, %parallel_loop3A_185] {strides = array<i32>} : memref<128x128xf32, #tpu.memory_space<vmem>>, vector<16xf32>,
        %parallel_loop3A_187 = arith.mulf %parallel_loop3A_131, %parallel_loop3A_186 : vector<16xf32>
        %parallel_loop3A_188 = arith.addf %parallel_loop3A_183, %parallel_loop3A_187 : vector<16xf32>
        %parallel_loop3A_189 = arith.index_cast %parallel_loop3A_122 : i32 to index
        %parallel_loop3A_190 = arith.constant 64 : index
        %parallel_loop3A_191 = tpu.vector_load %arg19[%parallel_loop3A_189, %parallel_loop3A_190] {strides = array<i32>} : memref<128x128xf32, #tpu.memory_space<vmem>>, vector<16xf32>,
        tpu.vector_store %arg19[%parallel_loop3A_189, %parallel_loop3A_190], %parallel_loop3A_188 {strides = array<i32>} : memref<128x128xf32, #tpu.memory_space<vmem>>, vector<16xf32>,
        %parallel_loop3A_192 = arith.index_cast %parallel_loop3A_122 : i32 to index
        %parallel_loop3A_193 = arith.constant 80 : index
        %parallel_loop3A_194 = tpu.vector_load %arg15[%parallel_loop3A_192, %parallel_loop3A_193] {strides = array<i32>} : memref<128x128xf32, #tpu.memory_space<vmem>>, vector<16xf32>,
        %parallel_loop3A_195 = arith.mulf %parallel_loop3A_130, %parallel_loop3A_194 : vector<16xf32>
        %parallel_loop3A_196 = arith.index_cast %parallel_loop3A_122 : i32 to index
        %parallel_loop3A_197 = arith.constant 80 : index
        %parallel_loop3A_198 = tpu.vector_load %arg17[%parallel_loop3A_196, %parallel_loop3A_197] {strides = array<i32>} : memref<128x128xf32, #tpu.memory_space<vmem>>, vector<16xf32>,
        %parallel_loop3A_199 = arith.mulf %parallel_loop3A_131, %parallel_loop3A_198 : vector<16xf32>
        %parallel_loop3A_200 = arith.addf %parallel_loop3A_195, %parallel_loop3A_199 : vector<16xf32>
        %parallel_loop3A_201 = arith.index_cast %parallel_loop3A_122 : i32 to index
        %parallel_loop3A_202 = arith.constant 80 : index
        %parallel_loop3A_203 = tpu.vector_load %arg19[%parallel_loop3A_201, %parallel_loop3A_202] {strides = array<i32>} : memref<128x128xf32, #tpu.memory_space<vmem>>, vector<16xf32>,
        tpu.vector_store %arg19[%parallel_loop3A_201, %parallel_loop3A_202], %parallel_loop3A_200 {strides = array<i32>} : memref<128x128xf32, #tpu.memory_space<vmem>>, vector<16xf32>,
        %parallel_loop3A_204 = arith.index_cast %parallel_loop3A_122 : i32 to index
        %parallel_loop3A_205 = arith.constant 96 : index
        %parallel_loop3A_206 = tpu.vector_load %arg15[%parallel_loop3A_204, %parallel_loop3A_205] {strides = array<i32>} : memref<128x128xf32, #tpu.memory_space<vmem>>, vector<16xf32>,
        %parallel_loop3A_207 = arith.mulf %parallel_loop3A_130, %parallel_loop3A_206 : vector<16xf32>
        %parallel_loop3A_208 = arith.index_cast %parallel_loop3A_122 : i32 to index
        %parallel_loop3A_209 = arith.constant 96 : index
        %parallel_loop3A_210 = tpu.vector_load %arg17[%parallel_loop3A_208, %parallel_loop3A_209] {strides = array<i32>} : memref<128x128xf32, #tpu.memory_space<vmem>>, vector<16xf32>,
        %parallel_loop3A_211 = arith.mulf %parallel_loop3A_131, %parallel_loop3A_210 : vector<16xf32>
        %parallel_loop3A_212 = arith.addf %parallel_loop3A_207, %parallel_loop3A_211 : vector<16xf32>
        %parallel_loop3A_213 = arith.index_cast %parallel_loop3A_122 : i32 to index
        %parallel_loop3A_214 = arith.constant 96 : index
        %parallel_loop3A_215 = tpu.vector_load %arg19[%parallel_loop3A_213, %parallel_loop3A_214] {strides = array<i32>} : memref<128x128xf32, #tpu.memory_space<vmem>>, vector<16xf32>,
        tpu.vector_store %arg19[%parallel_loop3A_213, %parallel_loop3A_214], %parallel_loop3A_212 {strides = array<i32>} : memref<128x128xf32, #tpu.memory_space<vmem>>, vector<16xf32>,
        %parallel_loop3A_216 = arith.index_cast %parallel_loop3A_122 : i32 to index
        %parallel_loop3A_217 = arith.constant 112 : index
        %parallel_loop3A_218 = tpu.vector_load %arg15[%parallel_loop3A_216, %parallel_loop3A_217] {strides = array<i32>} : memref<128x128xf32, #tpu.memory_space<vmem>>, vector<16xf32>,
        %parallel_loop3A_219 = arith.mulf %parallel_loop3A_130, %parallel_loop3A_218 : vector<16xf32>
        %parallel_loop3A_220 = arith.index_cast %parallel_loop3A_122 : i32 to index
        %parallel_loop3A_221 = arith.constant 112 : index
        %parallel_loop3A_222 = tpu.vector_load %arg17[%parallel_loop3A_220, %parallel_loop3A_221] {strides = array<i32>} : memref<128x128xf32, #tpu.memory_space<vmem>>, vector<16xf32>,
        %parallel_loop3A_223 = arith.mulf %parallel_loop3A_131, %parallel_loop3A_222 : vector<16xf32>
        %parallel_loop3A_224 = arith.addf %parallel_loop3A_219, %parallel_loop3A_223 : vector<16xf32>
        %parallel_loop3A_225 = arith.index_cast %parallel_loop3A_122 : i32 to index
        %parallel_loop3A_226 = arith.constant 112 : index
        %parallel_loop3A_227 = tpu.vector_load %arg19[%parallel_loop3A_225, %parallel_loop3A_226] {strides = array<i32>} : memref<128x128xf32, #tpu.memory_space<vmem>>, vector<16xf32>,
        tpu.vector_store %arg19[%parallel_loop3A_225, %parallel_loop3A_226], %parallel_loop3A_224 {strides = array<i32>} : memref<128x128xf32, #tpu.memory_space<vmem>>, vector<16xf32>,
      } {sc.loop_unroll_factor = 2 : i64, sc.parallel_access}
      %mul3A_110 = arith.constant 128 : i32
      %mul3A_111 = arith.muli %add3A_55, %mul3A_110 : i32
      %add3A_112 = arith.addi %mul3A_2, %mul3A_111 : i32
      %dma_start3A_113 = arith.constant 0 : i32
      %dma_start3A_114 = tpu.memref_slice %arg7[%add3A_112, %dma_start3A_113] : memref<16384x128xf32, #tpu.memory_space<hbm>> -> memref<128x128xf32, #tpu.memory_space<hbm>>
      %dma_start3A_115 = arith.constant 0 : i32
      %dma_start3A_116 = tpu.memref_slice %arg7[%add3A_112, %dma_start3A_115] : memref<16384x128xf32, #tpu.memory_space<hbm>> -> memref<128x128xf32, #tpu.memory_space<hbm>>
      tpu.enqueue_dma source(%arg19 : memref<128x128xf32, #tpu.memory_space<vmem>>) target(%dma_start3A_116 : memref<128x128xf32, #tpu.memory_space<hbm>>) target_semaphore(%arg25 : memref<!tpu.dma_semaphore, #tpu.memory_space<semaphore_mem>>)
      %lt3A_117 = arith.constant 1 : i32
      %lt3A_118 = arith.cmpi slt, %add3A_51, %lt3A_117 : i32
      %convert_element_type3A_119 = arith.extui %lt3A_118 : i1 to i32
      %cond3A_120 = arith.constant 0 : i32
      %cond3A_121 = arith.cmpi ne, %convert_element_type3A_119, %cond3A_120 : i32
      scf.if %cond3A_121 {
        %dma_wait3A_122 = arith.constant 0 : i32
        %dma_wait3A_123 = tpu.memref_slice %arg8[%mul3A_2, %dma_wait3A_122] : memref<16384x128xf32, #tpu.memory_space<hbm>> -> memref<128x128xf32, #tpu.memory_space<hbm>>
        %dma_wait3A_124 = arith.constant 0 : i32
        %dma_wait3A_125 = tpu.memref_slice %arg8[%mul3A_2, %dma_wait3A_124] : memref<16384x128xf32, #tpu.memory_space<hbm>> -> memref<128x128xf32, #tpu.memory_space<hbm>>
        tpu.wait_dma2 semaphore(%arg27 : memref<!tpu.dma_semaphore, #tpu.memory_space<semaphore_mem>>) src(%arg17 : memref<128x128xf32, #tpu.memory_space<vmem>>) dst(%dma_wait3A_125 : memref<128x128xf32, #tpu.memory_space<hbm>>)
        %add3A_126 = arith.constant 2 : i32
        %add3A_127 = arith.addi %add3A_55, %add3A_126 : i32
        %mul3A_128 = arith.constant 128 : i32
        %mul3A_129 = arith.muli %add3A_127, %mul3A_128 : i32
        %add3A_130 = arith.addi %mul3A_2, %mul3A_129 : i32
        %dma_start3A_131 = arith.constant 0 : i32
        %dma_start3A_132 = tpu.memref_slice %arg2[%add3A_130, %dma_start3A_131] : memref<16384x128xf32, #tpu.memory_space<hbm>> -> memref<128x128xf32, #tpu.memory_space<hbm>>
        %dma_start3A_133 = arith.constant 0 : i32
        %dma_start3A_134 = tpu.memref_slice %arg2[%add3A_130, %dma_start3A_133] : memref<16384x128xf32, #tpu.memory_space<hbm>> -> memref<128x128xf32, #tpu.memory_space<hbm>>
        tpu.enqueue_dma source(%dma_start3A_134 : memref<128x128xf32, #tpu.memory_space<hbm>>) target(%arg15 : memref<128x128xf32, #tpu.memory_space<vmem>>) target_semaphore(%arg21 : memref<!tpu.dma_semaphore, #tpu.memory_space<semaphore_mem>>)
        %mul3A_135 = arith.constant 128 : i32
        %mul3A_136 = arith.muli %add3A_127, %mul3A_135 : i32
        %add3A_137 = arith.addi %mul3A_2, %mul3A_136 : i32
        %dma_start3A_138 = arith.constant 0 : i32
        %dma_start3A_139 = tpu.memref_slice %arg3[%add3A_137, %dma_start3A_138] : memref<16384x128xf32, #tpu.memory_space<hbm>> -> memref<128x128xf32, #tpu.memory_space<hbm>>
        %dma_start3A_140 = arith.constant 0 : i32
        %dma_start3A_141 = tpu.memref_slice %arg3[%add3A_137, %dma_start3A_140] : memref<16384x128xf32, #tpu.memory_space<hbm>> -> memref<128x128xf32, #tpu.memory_space<hbm>>
        tpu.enqueue_dma source(%dma_start3A_141 : memref<128x128xf32, #tpu.memory_space<hbm>>) target(%arg17 : memref<128x128xf32, #tpu.memory_space<vmem>>) target_semaphore(%arg23 : memref<!tpu.dma_semaphore, #tpu.memory_space<semaphore_mem>>)
      } else {
      }
    }
    %scan3A_31 = arith.constant 2 : i32
    %dma_wait3A = arith.constant 0 : i32
    %dma_wait3A_32 = tpu.memref_slice %arg7[%mul3A_2, %dma_wait3A] : memref<16384x128xf32, #tpu.memory_space<hbm>> -> memref<128x128xf32, #tpu.memory_space<hbm>>
    %dma_wait3A_33 = arith.constant 0 : i32
    %dma_wait3A_34 = tpu.memref_slice %arg7[%mul3A_2, %dma_wait3A_33] : memref<16384x128xf32, #tpu.memory_space<hbm>> -> memref<128x128xf32, #tpu.memory_space<hbm>>
    tpu.wait_dma2 semaphore(%arg24 : memref<!tpu.dma_semaphore, #tpu.memory_space<semaphore_mem>>) src(%arg18 : memref<128x128xf32, #tpu.memory_space<vmem>>) dst(%dma_wait3A_34 : memref<128x128xf32, #tpu.memory_space<hbm>>)
    %dma_wait3A_35 = arith.constant 0 : i32
    %dma_wait3A_36 = tpu.memref_slice %arg7[%mul3A_2, %dma_wait3A_35] : memref<16384x128xf32, #tpu.memory_space<hbm>> -> memref<128x128xf32, #tpu.memory_space<hbm>>
    %dma_wait3A_37 = arith.constant 0 : i32
    %dma_wait3A_38 = tpu.memref_slice %arg7[%mul3A_2, %dma_wait3A_37] : memref<16384x128xf32, #tpu.memory_space<hbm>> -> memref<128x128xf32, #tpu.memory_space<hbm>>
    tpu.wait_dma2 semaphore(%arg25 : memref<!tpu.dma_semaphore, #tpu.memory_space<semaphore_mem>>) src(%arg19 : memref<128x128xf32, #tpu.memory_space<vmem>>) dst(%dma_wait3A_38 : memref<128x128xf32, #tpu.memory_space<hbm>>)
    %dma_wait3A_39 = arith.constant 0 : i32
    %dma_wait3A_40 = tpu.memref_slice %arg8[%mul3A_2, %dma_wait3A_39] : memref<16384x128xf32, #tpu.memory_space<hbm>> -> memref<128x128xf32, #tpu.memory_space<hbm>>
    %dma_wait3A_41 = arith.constant 0 : i32
    %dma_wait3A_42 = tpu.memref_slice %arg8[%mul3A_2, %dma_wait3A_41] : memref<16384x128xf32, #tpu.memory_space<hbm>> -> memref<128x128xf32, #tpu.memory_space<hbm>>
    tpu.wait_dma2 semaphore(%arg26 : memref<!tpu.dma_semaphore, #tpu.memory_space<semaphore_mem>>) src(%arg16 : memref<128x128xf32, #tpu.memory_space<vmem>>) dst(%dma_wait3A_42 : memref<128x128xf32, #tpu.memory_space<hbm>>)
    %dma_wait3A_43 = arith.constant 0 : i32
    %dma_wait3A_44 = tpu.memref_slice %arg8[%mul3A_2, %dma_wait3A_43] : memref<16384x128xf32, #tpu.memory_space<hbm>> -> memref<128x128xf32, #tpu.memory_space<hbm>>
    %dma_wait3A_45 = arith.constant 0 : i32
    %dma_wait3A_46 = tpu.memref_slice %arg8[%mul3A_2, %dma_wait3A_45] : memref<16384x128xf32, #tpu.memory_space<hbm>> -> memref<128x128xf32, #tpu.memory_space<hbm>>
    tpu.wait_dma2 semaphore(%arg27 : memref<!tpu.dma_semaphore, #tpu.memory_space<semaphore_mem>>) src(%arg17 : memref<128x128xf32, #tpu.memory_space<vmem>>) dst(%dma_wait3A_46 : memref<128x128xf32, #tpu.memory_space<hbm>>)
    return
  }
}

</mosaic_0001>

<sc_bundles>
// kernel: kernel.3.cloned.1.call-start
scs
__scs_entry_jumppad:
0x0: {  	(pc) =	sbr.rel $0x88, $3  }
0x1: {  	(tag) =	ssettag $0x0;
	lr =	simm.s32 $0x1  }
0x2: {  	[smem:$0x3F9C] =	sst lr;
	_ =	strace $0xD0000000  }
0x3: {  	_ = 	snop  }
0x4: {  	_ = 	snop  }
0x5: {  	_ = 	snop  }
0x6: {  	_ = 	snop  }
0x7: {  	_ = 	snop  }
__scs_overlays_trampoline_lowered:
0x8: {  	[smem:$0x3FAB] =	sst s0  }
0x9: {  	[smem:$0x3FAC] =	sst s1  }
0xa: {  	[smem:$0x3FAD] =	sst s2  }
0xb: {  	[smem:$0x3FAE] =	sst s3  }
0xc: {  	[smem:$0x3FAF] =	sst s4  }
0xd: {  	[smem:$0x3FB0] =	sst s5  }
0xe: {  	[smem:$0x3FB1] =	sst s6  }
0xf: {  	[smem:$0x3FB2] =	sst s7  }
0x10: {  	[smem:$0x3FB3] =	sst s8  }
0x11: {  	[smem:$0x3FB4] =	sst s9;
	s0 =	simm.s32 @!p0 $0x0  }
0x12: {  	s1 =	sld [smem:$0x3F9A];
	s0 =	simm.s32 @p0 $0x1  }
0x13: {  	[smem:$0x3FB5] =	sst s0;
	s0 =	simm.s32 @!p1 $0x0  }
0x14: {  	s2 =	sld [smem:$0x3F99];
	s0 =	simm.s32 @p1 $0x1  }
0x15: {  	[smem:$0x3FB6] =	sst s0;
	s0 =	simm.s32 @!p2 $0x0  }
0x16: {  	s3 =	sld [smem:$0x3FDB];
	s0 =	simm.s32 @p2 $0x1  }
0x17: {  	s4 =	simm.s32 $0x1BF5;
	[smem:$0x3FB8] =	sst s0  }
0x18: {  	s0 =	sld [smem:$0x3F9B];
	_ =	swait.ge [sflag:s4], $0x0  }
0x19: {  	s7 =	sld [smem:$0x3F9C]  }
0x1a: {  	s8 =	sadd.s32 $0xFFFFE003, lr  }
0x1b: {  	s9 =	sadd.s32 $0xFFFFFEF7, lr;
	s5 =	simm.s32 $0xFFFFFFFF;
	p2 =	slt.u32 s8, $0xFFFFF086  }
0x1c: {  	p1 =	slt.u32 s9, $0xF7A;
	s5 =	simm.s32 @!p2 $0x0  }
0x1d: {  	s5 =	simm.s32 @p1 $0x1;
	p0 =	seq.s32 s7, s2  }
0x1e: {  	s7 =	smul.u32 @!p0 $0xF7A, s2;
	p2 =	seq.s32 @!p0 s5, $0x0  }
0x1f: {  	s9 =	smul.u32 $0xF7A, s1;
	s8 =	simm.s32 @!p0 $0x1BF5;
	p2 =	por !p2, p0  }
0x20: {  	[sflag:s8] =	ssyncset.s32 @!p0 $0xFFFFF086;
	s6 =	sadd.s32 @!p0 s3, s7;
	s7 =	simm.s32 @!p0 $0x108  }
0x21: {  	s3 =	sadd.s32 s3, s9;
	s6 =	sadd.s32 @!p0 $0x88, s6;
	s7 =	simm.s32 @p2 $0x1082  }
0x22: {  	[simem:s7], [sflag:s8] =	dma.local @!p0 [hbm:s6], $0xF7A  }
0x23: {  	s9 =	sor.u32 $0xD0000000, s2;
	s6 =	simm.s32 $0x108;
	_ =	swait.ge @!p0 [sflag:s8], $0x0  }
0x24: {  	s3 =	sadd.s32 $0x88, s3;
	s6 =	simm.s32 @!p1 $0x1082;
	[sflag:s4] =	ssyncset.s32 $0xFFFFF086  }
0x25: {  	[simem:s6], [sflag:s4] =	dma.local [hbm:s3], $0xF7A  }
0x26: {  	[smem:$0x3F9C] =	sst s1;
	(tag) =	ssettag s2;
	_ =	strace s9  }
0x27: {  	s1 =	sld [smem:$0x3FAC]  }
0x28: {  	s2 =	sld [smem:$0x3FAD]  }
0x29: {  	s4 =	sld [smem:$0x3FAF]  }
0x2a: {  	p0 =	seq.s32 s5, $0x0;
	s5 =	sld [smem:$0x3FB0]  }
0x2b: {  	s6 =	sld [smem:$0x3FB1]  }
0x2c: {  	s7 =	sld [smem:$0x3FB2]  }
0x2d: {  	s3 =	simm.s32 $0x108;
	s8 =	sld [smem:$0x3FB3]  }
0x2e: {  	s3 =	simm.s32 @!p0 $0x1082;
	s9 =	sld [smem:$0x3FB4]  }
0x2f: {  	lr =	sadd.s32 s0, s3;
	s0 =	sld [smem:$0x3FAB]  }
0x30: {  	s3 =	sld [smem:$0x3FAE]  }
0x31: {  	[smem:$0x3FB7] =	sst s10  }
0x32: {  	s10 =	sld [smem:$0x3FB5];
	_ =	sdelay $0x3  }
0x33: {  	p0 =	seq.s32 s10, $0x1;
	s10 =	sld [smem:$0x3FB7];
	_ =	sdelay $0x3  }
0x34: {  	[smem:$0x3FB7] =	sst s10  }
0x35: {  	s10 =	sld [smem:$0x3FB6];
	_ =	sdelay $0x3  }
0x36: {  	p1 =	seq.s32 s10, $0x1;
	s10 =	sld [smem:$0x3FB7];
	_ =	sdelay $0x3  }
0x37: {  	[smem:$0x3FB7] =	sst s10  }
0x38: {  	s10 =	sld [smem:$0x3FB8]  }
0x39: {  	_ = 	snop;
	(pc) =	sbr.ind lr, $3  }
0x3a: {  	_ = 	snop  }
0x3b: {  	_ = 	snop  }
0x3c: {  	p2 =	seq.s32 s10, $0x1;
	s10 =	sld [smem:$0x3FB7]  }
0x3d: {  	_ =	shalt  }
0x3e: {  	_ =	shalt  }
0x3f: {  	_ =	shalt  }
0x40: {  	_ =	shalt  }
0x41: {  	_ =	shalt  }
0x42: {  	_ =	shalt  }
0x43: {  	_ =	shalt  }
0x44: {  	_ =	shalt  }
0x45: {  	_ =	shalt  }
0x46: {  	_ =	shalt  }
0x47: {  	_ =	shalt  }
0x48: {  	_ =	shalt  }
0x49: {  	_ =	shalt  }
0x4a: {  	_ =	shalt  }
0x4b: {  	_ =	shalt  }
0x4c: {  	_ =	shalt  }
0x4d: {  	_ =	shalt  }
0x4e: {  	_ =	shalt  }
0x4f: {  	_ =	shalt  }
0x50: {  	_ =	shalt  }
0x51: {  	_ =	shalt  }
0x52: {  	_ =	shalt  }
0x53: {  	_ =	shalt  }
0x54: {  	_ =	shalt  }
0x55: {  	_ =	shalt  }
0x56: {  	_ =	shalt  }
0x57: {  	_ =	shalt  }
0x58: {  	_ =	shalt  }
0x59: {  	_ =	shalt  }
0x5a: {  	_ =	shalt  }
0x5b: {  	_ =	shalt  }
0x5c: {  	_ =	shalt  }
0x5d: {  	_ =	shalt  }
0x5e: {  	_ =	shalt  }
0x5f: {  	_ =	shalt  }
0x60: {  	_ =	shalt  }
0x61: {  	_ =	shalt  }
0x62: {  	_ =	shalt  }
0x63: {  	_ =	shalt  }
0x64: {  	_ =	shalt  }
0x65: {  	_ =	shalt  }
0x66: {  	_ =	shalt  }
0x67: {  	_ =	shalt  }
0x68: {  	_ =	shalt  }
0x69: {  	_ =	shalt  }
0x6a: {  	_ =	shalt  }
0x6b: {  	_ =	shalt  }
0x6c: {  	_ =	shalt  }
0x6d: {  	_ =	shalt  }
0x6e: {  	_ =	shalt  }
0x6f: {  	_ =	shalt  }
0x70: {  	_ =	shalt  }
0x71: {  	_ =	shalt  }
0x72: {  	_ =	shalt  }
0x73: {  	_ =	shalt  }
0x74: {  	_ =	shalt  }
0x75: {  	_ =	shalt  }
0x76: {  	_ =	shalt  }
0x77: {  	_ =	shalt  }
0x78: {  	_ =	shalt  }
0x79: {  	_ =	shalt  }
0x7a: {  	_ =	shalt  }
0x7b: {  	_ =	shalt  }
0x7c: {  	_ =	shalt  }
0x7d: {  	_ =	shalt  }
0x7e: {  	_ =	shalt  }
0x7f: {  	_ =	shalt  }
0x80: {  	_ =	shalt  }
0x81: {  	_ =	shalt  }
0x82: {  	_ =	shalt  }
0x83: {  	_ =	shalt  }
0x84: {  	_ =	shalt  }
0x85: {  	_ =	shalt  }
0x86: {  	_ =	shalt  }
0x87: {  	_ =	shalt  }
.Lfunc_end0:
.L_simem_size_0:
called_computation_lowered:
.L_overlay_start_0:
0x88: {  	s2 =	sld [smem:$0x3FD9]  }
0x89: {  	s3 =	sld [smem:$0x3FFE];
	_ =	sdelay $0x1  }
0x8a: {  	s1 =	srdreg.scid  }
0x8b: {  	s0 =	sand.u32 $0x1, s1  }
0x8c: {  	s15 =	sshll.u32 s0, $0xA;
	s2 =	sadd.s32 s3, s2  }
0x8d: {  	s2 =	sadd.s32 s2, s15  }
0x8e: {  	[smem:$0x3FC3] =	sst s2  }
0x8f: {  	_ = 	snop  }
0x90: {  	s2 =	sld [smem:$0x3FC9]  }
0x91: {  	s16 =	sld [smem:$0x3FC8]  }
0x92: {  	s4 =	sld [smem:$0x3FD0]  }
0x93: {  	s5 =	sld [smem:$0x3FC7]  }
0x94: {  	s6 =	sld [smem:$0x3FC6]  }
0x95: {  	s8 =	simm.s32 $0xA;
	s9 =	simm.s32 $0x10;
	s7 =	sld [smem:$0x3FC5]  }
0x96: {  	[smem:s9], [sflag:s8] =	dma.local [hbm:s4], $0x1  }
0x97: {  	_ =	swait.eq [sflag:s8], $0x1  }
0x98: {  	[sflag:s8] =	ssyncset.done $0x0  }
0x99: {  	s17 =	sld [smem:$0x10];
	[sflag:s8] =	ssyncadd.s32 $0xFFFFFFFF  }
0x9a: {  	s18 =	sld [smem:$0x11];
	(tm) =	ssettm $0x1  }
0x9b: {  	s19 =	sld [smem:$0x3FFB];
	_ =	sdelay $0x3  }
0x9c: {  	_ =	strace s19  }
0x9d: {  	s9 =	sld [smem:$0x3FFC];
	_ =	sdelay $0x3  }
0x9e: {  	_ =	strace s9  }
0x9f: {  	s9 =	sld [smem:$0x3FFD];
	_ =	sdelay $0x3  }
0xa0: {  	_ =	strace s9  }
0xa1: {  	_ =	strace $0x8FFFFFFF  }
0xa2: {  	s20 =	sld [smem:$0x3FDB];
	_ =	sdelay $0x1  }
0xa3: {  	s10 =	simm.s32 $_scs_section_size  }
0xa4: {  	s11 =	simm.s32 $_size__tile_overlayer_lowered;
	s12 =	simm.s32 $_tile_overlayer_lowered  }
0xa5: {  	s23 =	simm.s32 $0x1BFF;
	s22 =	sshll.u32 s12, $0x1;
	s9 =	sadd.s32 s10, s20  }
0xa6: {  	s13 =	simm.s32 $0x0;
	s21 =	sshll.u32 s11, $0x1;
	s11 =	sadd.s32 s22, s9  }
0xa7: {  	[timem:s13], [sflag:s23] =	dma.local [hbm:s11], s21  }
0xa8: {  	_ =	swait.ge [sflag:s23], s21  }
0xa9: {  	s10 =	ssub.s32 $0x0, s21;
	[sflag:s23] =	ssyncset.done $0x0  }
0xaa: {  	[sflag:s23] =	ssyncadd.s32 s10;
	_ =	sdelay $0x1  }
0xab: {  	s24 =	simm.s32 $0x1B8B  }
0xac: {  	_ =	swait.ge [sflag:s24], $0x1  }
0xad: {  	[sflag:s24] =	ssyncset.done $0x0  }
0xae: {  	s25 =	simm.s32 $0x1B8E;
	[sflag:s24] =	ssyncadd.s32 $0xFFFFFFFF  }
0xaf: {  	s26 =	simm.s32 $execute0_lowered;
	[smem:$0x3FD2] =	sst s25  }
0xb0: {  	s10 =	sshll.u32 s26, $0x1;
	_ =	strace $0x80000046;
	[dreg:$0x1] =	wrdreg $0xFFFFFFFF  }
0xb1: {  	s28 =	simm.s32 $_size_execute0_lowered;
	s9 =	sadd.s32 s9, s10;
	[dreg:$0x0] =	wrdreg $0x0  }
0xb2: {  	s10 =	sshll.u32 s28, $0x1;
	[dreg:$0x2] =	wrdreg s9  }
0xb3: {  	[dreg:$0x3] =	wrdreg s10  }
0xb4: {  	[dreg:$0x4] =	wrdreg $0xC0  }
0xb5: {  	_ =	task [dreg:s13], $0x5FFFF  }
0xb6: {  	[dreg:$0x1] =	wrdreg $0xFFFFFFFF  }
0xb7: {  	[dreg:$0x0] =	wrdreg $0x60  }
0xb8: {  	[dreg:$0x2] =	wrdreg s2  }
0xb9: {  	[dreg:$0x3] =	wrdreg s5  }
0xba: {  	[dreg:$0x4] =	wrdreg s16  }
0xbb: {  	[dreg:$0x5] =	wrdreg s6  }
0xbc: {  	[dreg:$0x6] =	wrdreg s7  }
0xbd: {  	[dreg:$0x7] =	wrdreg s17  }
0xbe: {  	[dreg:$0x8] =	wrdreg s18  }
0xbf: {  	[dreg:$0x9] =	wrdreg $0x9  }
0xc0: {  	_ =	task.clear_ibuf [dreg:s13], $0xAFFFF;
	_ =	strace $0x90000046  }
0xc1: {  	s29 =	simm.s32 $0x9;
	_ =	strace $0x80000048  }
0xc2: {  	_ =	swait.ge [sflag:s29], $0x1  }
0xc3: {  	[sflag:s29] =	ssyncadd.s32 $0xFFFFFFFF  }
0xc4: {  	_ =	strace $0x90000048  }
0xc5: {  	_ =	sfence  }
0xc6: {  	s30 =	sld [smem:$0x0];
	_ =	sdelay $0x2  }
0xc7: {  	s31 =	sshll.u32 s1, $0xD;
	s1 =	sshrl.u32 s1, $0x2  }
0xc8: {  	s3 =	sand.u32 $0x4000, s31;
	s1 =	sadd.s32 s1, s30  }
0xc9: {  	s0 =	sor.u32 s3, s0;
	s1 =	sshll.u32 s1, $0x11  }
0xca: {  	s0 =	sor.u32 s1, s0  }
0xcb: {  	s0 =	sadd.s32 $0x8F2B, s0  }
0xcc: {  	[sflag:s0] =	ssyncadd.remote.s32 $0x1  }
0xcd: {  	_ =	sfence.sel $0xFFFF  }
0xce: {  	[dreg:$0x0] =	wrdreg $0xFFFFFFFF;
	(pc) =	sbr.abs _section_cstart, $3  }
0xcf: {  	[dreg:$0x1] =	wrdreg $0xFFFFFFFF  }
0xd0: {  	_ =	task.clear_ibuf [dreg:s13], $0x2FFFF;
	_ =	strace $0x9FFFFFFF  }
0xd1: {  	(tm) =	ssettm $0x7FFFFFFF  }
tec
execute0_lowered:
.L_overlay_start_1:
0x0: {  	(tag) =	ssettag $0x1  }
0x1: {  	s5 =	rddreg [dreg:$0x0]  }
0x2: {  	s6 =	rddreg [dreg:$0x1]  }
0x3: {  	s0 =	rddreg [dreg:$0x2]  }
0x4: {  	s7 =	rddreg [dreg:$0x6];
	s1 =	srdreg.scid  }
0x5: {  	s2 =	stileid.u32;
	s8 =	simm.s32 $0x0;
	s28 =	simm.s32 $0x3  }
0x6: {  	s29 =	simm.s32 $0xA00;
	s30 =	simm.s32 $0xC00;
	s1 =	sand.u32 $0x1, s1  }
0x7: {  	s10 =	simm.s32 $0x8;
	s2 =	sshll.u32 s2, $0xA;
	s3 =	sshll.u32 s1, $0x9  }
0x8: {  	[smem:$0x7FF] =	sst s8;
	s1 =	ssub.s32 $0x2, s1;
	s9 =	sor.u32 s3, s2  }
0x9: {  	_ =	strace $0x80000047;
	s20 =	sshrl.u32 s1, $0x1;
	s3 =	sshll.u32 s9, $0x4  }
0xa: {  	s1 =	ssub.s32 s1, s20;
	s24 =	sshrl.u32 s9, $0x3;
	s26 =	sor.u32 $0x180, s9  }
0xb: {  	s21 =	sadd.s32 s5, s3;
	s22 =	sor.u32 $0x800, s3;
	s4 =	sadd.s32 s6, s3  }
0xc: {  	s0 =	sadd.s32 s0, s24;
	s25 =	sor.u32 $0x1000, s3;
	[dreg:$0xd] =	wrdreg s26  }
0xd: {  	s31 =	smax.u32 s1, $0x1;
	s24 =	simm.s32 $0x400;
	[dreg:$0x8] =	wrdreg s21  }
.Ltmp0:
0xe: {  	s26 =	simm.s32 $0x1;
	[dreg:$0x9] =	wrdreg s4;
	(pc) =	sbr.rel .LBB2_1-.Ltmp0, $4  }
0xf: {  	s1 =	simm.s32 $0x0;
	s23 =	sadd.s32 s5, s22;
	[dreg:$0xc] =	wrdreg s0  }
0x10: {  	s2 =	sadd.s32 s6, s22;
	s15 =	sadd.s32 s5, s25;
	[dreg:$0xe] =	wrdreg s31  }
0x11: {  	s16 =	sadd.s32 s6, s25;
	s22 =	simm.s32 $0xCE00;
	[dreg:$0xa] =	wrdreg s23  }
0x12: {  	s5 =	simm.s32 $0x4;
	[dreg:$0xb] =	wrdreg s2;
	s2 =	simm.s32 $0x2  }
.LBB2_10:
0x13: {  	s0 =	simm.s32 $0x5  }
0x14: {  	_ =	swait.ge [sflag:s0], $0x4000  }
0x15: {  	[sflag:s0] =	ssyncset.done $0x0  }
0x16: {  	s23 =	simm.s32 $0x6;
	[sflag:s0] =	ssyncadd.s32 $0xFFFFC000  }
0x17: {  	_ =	swait.ge [sflag:s23], $0x4000  }
0x18: {  	[sflag:s23] =	ssyncset.done $0x0  }
0x19: {  	s25 =	simm.s32 $0x7;
	[sflag:s23] =	ssyncadd.s32 $0xFFFFC000  }
0x1a: {  	_ =	swait.ge [sflag:s25], $0x4000  }
0x1b: {  	[sflag:s25] =	ssyncset.done $0x0  }
0x1c: {  	[sflag:s25] =	ssyncadd.s32 $0xFFFFC000  }
0x1d: {  	_ =	swait.ge [sflag:s10], $0x4000  }
0x1e: {  	s1 =	rddreg [dreg:$0xf]  }
0x1f: {  	s31 =	rddreg [dreg:$0xe];
	s1 =	sadd.s32 $0x1, s1  }
0x20: {  	p0 =	sne.s32 s1, s31  }
.Ltmp1:
0x21: {  	_ = 	snop;
	(pc) =	sbr.rel @!p0 .LBB2_11-.Ltmp1, $3  }
0x22: {  	_ =	sdelay $0x1  }
0x23: {  	[sflag:s10] =	ssyncset.done $0x0  }
0x24: {  	[sflag:s10] =	ssyncadd.s32 $0xFFFFC000  }
.LBB2_1:
0x25: {  	[dreg:$0xf] =	wrdreg s1  }
0x26: {  	s0 =	rddreg [dreg:$0x8];
	s4 =	simm.s32 $0xE00  }
0x27: {  	[tilespmem:s4], [sflag:$0x1] =	stream.linear.gather [hbm4b:s0+s8], $0x4000, $0x38;
	[tilespmem:$0x18E00] =	vst v63  }
0x28: {  	s6 =	rddreg [dreg:$0x9];
	s11 =	simm.s32 $0x8E00  }
0x29: {  	[tilespmem:s11], [sflag:$0x3] =	stream.linear.gather [hbm4b:s6+s8], $0x4000, $0x38;
	[tilespmem:$0x18E00] =	vst v63  }
0x2a: {  	s12 =	rddreg [dreg:$0xa];
	s13 =	simm.s32 $0x4E00  }
0x2b: {  	[tilespmem:s13], [sflag:$0x2] =	stream.linear.gather [hbm4b:s12+s8], $0x4000, $0x38;
	[tilespmem:$0x18E00] =	vst v63  }
0x2c: {  	s14 =	rddreg [dreg:$0xb]  }
0x2d: {  	[tilespmem:s22], [sflag:$0x4] =	stream.linear.gather [hbm4b:s14+s8], $0x4000, $0x38;
	[tilespmem:$0x18E00] =	vst v63  }
0x2e: {  	s17 =	rddreg [dreg:$0x3];
	s18 =	simm.s32 $0x9  }
0x2f: {  	[tilespmem:s8], [sflag:$0x9] =	stream.linear.gather [hbm4b:s17+s8], $0x400, $0x38;
	[tilespmem:$0x18E00] =	vst v63  }
0x30: {  	_ =	swait.ge [sflag:s18], $0x400  }
0x31: {  	[sflag:s18] =	ssyncset.done $0x0  }
0x32: {  	[sflag:s18] =	ssyncadd.s32 $0xFFFFFC00  }
0x33: {  	s19 =	rddreg [dreg:$0x4]  }
0x34: {  	[tilespmem:s24], [sflag:$0x9] =	stream.linear.gather [hbm4b:s19+s8], $0x400, $0x38;
	[tilespmem:$0x18E00] =	vst v63  }
0x35: {  	_ =	swait.ge [sflag:s18], $0x400  }
0x36: {  	[sflag:s18] =	ssyncset.done $0x0  }
0x37: {  	s3 =	simm.s32 $0x800;
	s20 =	rddreg [dreg:$0xc];
	[sflag:s18] =	ssyncadd.s32 $0xFFFFFC00  }
0x38: {  	[tilespmem:s3], [sflag:$0x9] =	stream.linear.gather [hbm4b:s20+s8], $0x200, $0x38;
	[tilespmem:$0x18E00] =	vst v63  }
0x39: {  	_ =	swait.ge [sflag:s18], $0x200  }
0x3a: {  	[sflag:s18] =	ssyncset.done $0x0  }
0x3b: {  	s21 =	simm.s32 $0x810;
	[sflag:s18] =	ssyncadd.s32 $0xFFFFFE00  }
0x3c: {  	v4 =	vld [tilespmem:s21+$0xFFFFFFF0];
	_ =	sdelay $0x1  }
0x3d: {  	v5 =	vld [tilespmem:s21+$0x0];
	_ =	sdelay $0x3  }
0x3e: {  	s23 =	simm.s32 $0x830  }
0x3f: {  	v1 =	vld [tilespmem:s23+$0xFFFFFFF0]  }
0x40: {  	v6 =	vld.idx.msk [tilespmem:v4+s8+$0x0], $0xffff  }
0x41: {  	v0 =	vld [tilespmem:s23+$0x0]  }
0x42: {  	v7 =	vld.idx.msk [tilespmem:v5+s8+$0x0], $0xffff;
	_ =	sdelay $0x1  }
0x43: {  	s25 =	simm.s32 $0x850;
	s31 =	simm.s32 $0xA10  }
0x44: {  	v3 =	vld [tilespmem:s25+$0xFFFFFFF0];
	[tilespmem:s31+$0xFFFFFFF0] =	vst v6  }
0x45: {  	v4 =	vld.idx.msk [tilespmem:v4+s24+$0x0], $0xffff  }
0x46: {  	v6 =	vld.idx.msk [tilespmem:v1+s8+$0x0], $0xffff;
	[tilespmem:s31+$0x0] =	vst v7  }
0x47: {  	v5 =	vld.idx.msk [tilespmem:v5+s24+$0x0], $0xffff  }
0x48: {  	s1 =	simm.s32 $0xC10;
	s0 =	simm.s32 $0xC10;
	v7 =	vld.idx.msk [tilespmem:v0+s8+$0x0], $0xffff  }
0x49: {  	s4 =	simm.s32 $0x4;
	s11 =	simm.s32 $0x870;
	s3 =	simm.s32 $0xA30;
	v2 =	vld [tilespmem:s25+$0x0]  }
.LBB2_2:
0x4a: {  	v8 =	vld [tilespmem:s11+$0xFFFFFFF0];
	s4 =	sadd.s32 $0x2, s4;
	[tilespmem:s0+$0xFFFFFFF0] =	vst v4;
	s1 =	sadd.s32 $0x20, s1;
	p0 =	por $0x0, $0x0  }
0x4b: {  	v9 =	vld [tilespmem:s11+$0x0];
	p1 =	slt.u32 s4, $0x1E;
	[tilespmem:s3+$0xFFFFFFF0] =	vst v6  }
0x4c: {  	s12 =	simm.s32 $0x0;
	v4 =	vld.idx.msk [tilespmem:v1+s24+$0x0], $0xffff;
	[tilespmem:s0+$0x0] =	vst v5;
	v1 =	vmov v3;
	s0 =	smov.u32 s1  }
.Ltmp2:
0x4d: {  	v6 =	vld.idx.msk [tilespmem:v3+s12+$0x0], $0xffff;
	[tilespmem:s3+$0x0] =	vst v7;
	(pc) =	sbr.rel @p1 .LBB2_2-.Ltmp2, $4  }
0x4e: {  	v5 =	vld.idx.msk [tilespmem:v0+s24+$0x0], $0xffff;
	v0 =	vmov v2  }
0x4f: {  	v7 =	vld.idx.msk [tilespmem:v2+s12+$0x0], $0xffff;
	v3 =	vmov v8  }
0x50: {  	s3 =	sadd.s32 $0x20, s3;
	v2 =	vmov v9  }
0x51: {  	s11 =	sadd.s32 $0x20, s11  }
0x52: {  	_ =	sdelay $0x3  }
0x53: {  	v8 =	vld.idx.msk [tilespmem:v3+s12+$0x0], $0xffff  }
0x54: {  	v9 =	vld.idx.msk [tilespmem:v2+s12+$0x0], $0xffff;
	_ =	sdelay $0x1  }
0x55: {  	[tilespmem:s3+$0xFFFFFFF0] =	vst v6  }
0x56: {  	s25 =	sadd.s32 $0x20, s3;
	v1 =	vld.idx.msk [tilespmem:v1+s24+$0x0], $0xffff;
	[tilespmem:s3+$0x0] =	vst v7  }
0x57: {  	v0 =	vld.idx.msk [tilespmem:v0+s24+$0x0], $0xffff;
	[tilespmem:s25+$0xFFFFFFF0] =	vst v8  }
0x58: {  	[tilespmem:s25+$0x0] =	vst v9;
	v62 =	vld.idx.msk [tilespmem:v3+s24+$0x0], $0xffff  }
0x59: {  	[tilespmem:s0+$0xFFFFFFF0] =	vst v4;
	v63 =	vld.idx.msk [tilespmem:v2+s24+$0x0], $0xffff  }
0x5a: {  	s1 =	sadd.s32 $0x20, s1;
	[tilespmem:s0+$0x0] =	vst v5  }
0x5b: {  	[tilespmem:s1+$0xFFFFFFF0] =	vst v1  }
0x5c: {  	s31 =	sadd.s32 $0x20, s1;
	[tilespmem:s1+$0x0] =	vst v0  }
0x5d: {  	[tilespmem:s31+$0xFFFFFFF0] =	vst v62  }
0x5e: {  	[tilespmem:s31+$0x0] =	vst v63  }
.LBB2_4:
0x5f: {  	_ =	swait.ge [sflag:s26], $0x4000  }
0x60: {  	[sflag:s26] =	ssyncset.done $0x0  }
0x61: {  	s0 =	sadd.s32 $0xFFFFFFFE, s12;
	[sflag:s26] =	ssyncadd.s32 $0xFFFFC000  }
0x62: {  	s1 =	sor.u32 s9, s12;
	s3 =	sadd.s32 $0x2, s0;
	_ =	swait.ge [sflag:s28], $0x4000  }
0x63: {  	s13 =	sshll.u32 s1, $0x4;
	v0 =	vmov s3;
	[sflag:s28] =	ssyncset.done $0x0  }
0x64: {  	s23 =	simm.s32 $0x8E00;
	s1 =	sadd.s32 s7, s13;
	v0 =	vand.u32 $0xFFFFFFFE, v0;
	[sflag:s28] =	ssyncadd.s32 $0xFFFFC000  }
0x65: {  	v0 =	vbroadcast v0, $0x0;
	[hbm4b:s1+s8] =	stream.linear.scatter [tilespmem:s23], [sflag:$0x7], $0x4000, $0x38;
	[tilespmem:$0x18E00] =	vst v63  }
0x66: {  	s1 =	simm.s32 @p0 $0x5  }
0x67: {  	_ =	swait.ge @p0 [sflag:s1], $0x4000  }
0x68: {  	[sflag:s1] =	ssyncset.done @p0 $0x0  }
0x69: {  	s21 =	simm.s32 $0xE80;
	[sflag:s1] =	ssyncadd.s32 @p0 $0xFFFFC000  }
0x6a: {  	v1 =	vld [tilespmem:s21+$0xFFFFFF80]  }
0x6b: {  	v12 =	vld.idx.msk [tilespmem:v0+s29+$0x0], $0xffff  }
0x6c: {  	s1 =	simm.s32 $0x8E80;
	v13 =	vld.idx.msk [tilespmem:v0+s30+$0x0], $0xffff  }
0x6d: {  	v0 =	vld [tilespmem:s1+$0xFFFFFF80];
	_ =	sdelay $0x4  }
0x6e: {  	v1 =	vmul.f32 v1, v12;
	v0 =	vmul.f32 v0, v13;
	_ =	sdelay $0x1  }
0x6f: {  	v0 =	vadd.f32 v0, v1  }
0x70: {  	s14 =	simm.s32 $0x10E80  }
0x71: {  	[tilespmem:s14+$0xFFFFFF80] =	vst v0  }
0x72: {  	s0 =	sadd.s32 $0x3, s0;
	v0 =	vld [tilespmem:s21+$0xFFFFFF90]  }
0x73: {  	v1 =	vmov s0;
	v2 =	vld [tilespmem:s1+$0xFFFFFF90];
	_ =	sdelay $0x4  }
0x74: {  	v11 =	vld.idx.msk [tilespmem:v1+s29+$0x0], $0xffff;
	v3 =	vmul.f32 v0, v12;
	v2 =	vmul.f32 v2, v13  }
0x75: {  	v0 =	vld.idx.msk [tilespmem:v1+s30+$0x0], $0xffff  }
0x76: {  	v1 =	vld [tilespmem:s21+$0x0];
	v2 =	vadd.f32 v2, v3  }
0x77: {  	v3 =	vld [tilespmem:s1+$0x0]  }
0x78: {  	[tilespmem:s14+$0xFFFFFF90] =	vst v2  }
0x79: {  	v2 =	vld [tilespmem:s21+$0xFFFFFFA0]  }
0x7a: {  	v4 =	vld [tilespmem:s1+$0xFFFFFFA0];
	_ =	sdelay $0x1  }
0x7b: {  	s25 =	sadd.s32 $0x0, s12;
	v1 =	vmul.f32 v1, v11;
	v3 =	vmul.f32 v3, v0  }
0x7c: {  	s4 =	sadd.s32 $0x2, s25  }
0x7d: {  	v1 =	vadd.f32 v3, v1;
	v3 =	vmov s4  }
0x7e: {  	v3 =	vand.u32 $0xFFFFFFFE, v3;
	v2 =	vmul.f32 v2, v12;
	v4 =	vmul.f32 v4, v13  }
0x7f: {  	s4 =	simm.s32 $0xF80;
	[tilespmem:s14+$0x0] =	vst v1;
	v1 =	vbroadcast v3, $0x0  }
0x80: {  	v5 =	vld [tilespmem:s4+$0xFFFFFF80];
	v2 =	vadd.f32 v4, v2  }
0x81: {  	v3 =	vld [tilespmem:s21+$0x10]  }
0x82: {  	v4 =	vld [tilespmem:s1+$0x10];
	[tilespmem:s14+$0xFFFFFFA0] =	vst v2  }
0x83: {  	v2 =	vld [tilespmem:s21+$0xFFFFFFB0]  }
0x84: {  	v6 =	vld [tilespmem:s1+$0xFFFFFFB0]  }
0x85: {  	v14 =	vld.idx.msk [tilespmem:v1+s29+$0x0], $0xffff  }
0x86: {  	s19 =	simm.s32 $0x8F80;
	v15 =	vld.idx.msk [tilespmem:v1+s30+$0x0], $0xffff  }
0x87: {  	v1 =	vmul.f32 v3, v11;
	v3 =	vmul.f32 v4, v0;
	v4 =	vld [tilespmem:s19+$0xFFFFFF80];
	_ =	sdelay $0x1  }
0x88: {  	v1 =	vadd.f32 v3, v1;
	v2 =	vmul.f32 v2, v12;
	v3 =	vmul.f32 v6, v13;
	_ =	sdelay $0x1  }
0x89: {  	[tilespmem:s14+$0x10] =	vst v1;
	v1 =	vadd.f32 v3, v2  }
0x8a: {  	v2 =	vld [tilespmem:s21+$0x20];
	v3 =	vmul.f32 v5, v14;
	v4 =	vmul.f32 v4, v15  }
0x8b: {  	s0 =	sadd.s32 $0x3, s25;
	v5 =	vld [tilespmem:s1+$0x20];
	[tilespmem:s14+$0xFFFFFFB0] =	vst v1  }
0x8c: {  	v1 =	vmov s0;
	v3 =	vadd.f32 v4, v3;
	v4 =	vld [tilespmem:s21+$0xFFFFFFC0]  }
0x8d: {  	s18 =	simm.s32 $0x10F80;
	v6 =	vld [tilespmem:s1+$0xFFFFFFC0]  }
0x8e: {  	[tilespmem:s18+$0xFFFFFF80] =	vst v3  }
0x8f: {  	v3 =	vld [tilespmem:s4+$0xFFFFFF90]  }
0x90: {  	v7 =	vmul.f32 v2, v11;
	v5 =	vmul.f32 v5, v0;
	v8 =	vld [tilespmem:s19+$0xFFFFFF90]  }
0x91: {  	v2 =	vld.idx.msk [tilespmem:v1+s29+$0x0], $0xffff  }
0x92: {  	v5 =	vadd.f32 v5, v7;
	v1 =	vld.idx.msk [tilespmem:v1+s30+$0x0], $0xffff;
	v4 =	vmul.f32 v4, v12;
	v6 =	vmul.f32 v6, v13  }
0x93: {  	v7 =	vld [tilespmem:s4+$0x0]  }
0x94: {  	[tilespmem:s14+$0x20] =	vst v5;
	v5 =	vld [tilespmem:s19+$0x0];
	v4 =	vadd.f32 v6, v4  }
0x95: {  	v6 =	vld [tilespmem:s21+$0x30];
	v3 =	vmul.f32 v3, v14;
	v8 =	vmul.f32 v8, v15  }
0x96: {  	v9 =	vld [tilespmem:s1+$0x30];
	[tilespmem:s14+$0xFFFFFFC0] =	vst v4  }
0x97: {  	v3 =	vadd.f32 v8, v3;
	v4 =	vld [tilespmem:s21+$0xFFFFFFD0]  }
0x98: {  	v8 =	vld [tilespmem:s1+$0xFFFFFFD0]  }
0x99: {  	v7 =	vmul.f32 v7, v2;
	v5 =	vmul.f32 v5, v1;
	[tilespmem:s18+$0xFFFFFF90] =	vst v3  }
0x9a: {  	v3 =	vld [tilespmem:s4+$0xFFFFFFA0]  }
0x9b: {  	v6 =	vmul.f32 v6, v11;
	v5 =	vadd.f32 v5, v7;
	v7 =	vmul.f32 v9, v0;
	v9 =	vld [tilespmem:s19+$0xFFFFFFA0]  }
0x9c: {  	s23 =	simm.s32 $0x9080  }
0x9d: {  	s6 =	sadd.s32 $0x2, s12;
	v20 =	vld [tilespmem:s23+$0xFFFFFF80];
	[tilespmem:s18+$0x0] =	vst v5;
	v5 =	vadd.f32 v7, v6;
	v4 =	vmul.f32 v4, v12;
	v6 =	vmul.f32 v8, v13  }
0x9e: {  	s11 =	sadd.s32 $0x2, s6;
	v7 =	vld [tilespmem:s4+$0x10]  }
0x9f: {  	s31 =	simm.s32 $0x1180;
	v8 =	vld [tilespmem:s19+$0x10];
	[tilespmem:s14+$0x30] =	vst v5;
	v5 =	vmov s11;
	v4 =	vadd.f32 v6, v4  }
0xa0: {  	v26 =	vld [tilespmem:s31+$0xFFFFFF80];
	s25 =	simm.s32 $0x1080;
	v3 =	vmul.f32 v3, v14;
	v5 =	vand.u32 $0xFFFFFFFE, v5;
	v6 =	vmul.f32 v9, v15  }
0xa1: {  	v18 =	vld [tilespmem:s25+$0xFFFFFF80];
	v5 =	vbroadcast v5, $0x0  }
0xa2: {  	v10 =	vld [tilespmem:s21+$0x40];
	[tilespmem:s14+$0xFFFFFFD0] =	vst v4;
	v3 =	vadd.f32 v6, v3  }
0xa3: {  	v16 =	vld [tilespmem:s21+$0xFFFFFFE0]  }
0xa4: {  	v17 =	vld [tilespmem:s1+$0xFFFFFFE0];
	v4 =	vmul.f32 v8, v1;
	[tilespmem:s18+$0xFFFFFFA0] =	vst v3;
	v3 =	vmul.f32 v7, v2  }
0xa5: {  	v7 =	vld [tilespmem:s4+$0xFFFFFFB0]  }
0xa6: {  	s0 =	sadd.s32 $0x3, s6;
	v8 =	vld [tilespmem:s19+$0xFFFFFFB0];
	v3 =	vadd.f32 v4, v3  }
0xa7: {  	v19 =	vmov s0;
	v4 =	vld.idx.msk [tilespmem:v5+s29+$0x0], $0xffff  }
0xa8: {  	v6 =	vld.idx.msk [tilespmem:v5+s30+$0x0], $0xffff;
	[tilespmem:s18+$0x10] =	vst v3  }
0xa9: {  	v21 =	vld [tilespmem:s4+$0x20]  }
0xaa: {  	v22 =	vld [tilespmem:s19+$0x20]  }
0xab: {  	v9 =	vld [tilespmem:s1+$0x40];
	v7 =	vmul.f32 v7, v14;
	v8 =	vmul.f32 v8, v15  }
0xac: {  	v16 =	vmul.f32 v16, v12;
	v17 =	vmul.f32 v17, v13;
	v5 =	vld.idx.msk [tilespmem:v19+s30+$0x0], $0xffff  }
0xad: {  	v3 =	vld.idx.msk [tilespmem:v19+s29+$0x0], $0xffff;
	v7 =	vadd.f32 v8, v7;
	v18 =	vmul.f32 v18, v4;
	v19 =	vmul.f32 v20, v6  }
0xae: {  	v16 =	vadd.f32 v17, v16;
	v8 =	vld [tilespmem:s25+$0x0]  }
0xaf: {  	v17 =	vld [tilespmem:s23+$0x0];
	[tilespmem:s18+$0xFFFFFFB0] =	vst v7;
	v7 =	vmul.f32 v21, v2;
	v20 =	vmul.f32 v22, v1;
	v18 =	vadd.f32 v19, v18  }
0xb0: {  	s11 =	simm.s32 $0x11080;
	[tilespmem:s14+$0xFFFFFFE0] =	vst v16;
	v19 =	vld [tilespmem:s4+$0xFFFFFFC0]  }
0xb1: {  	v10 =	vmul.f32 v10, v11;
	v9 =	vmul.f32 v9, v0;
	v16 =	vld [tilespmem:s19+$0xFFFFFFC0];
	v7 =	vadd.f32 v20, v7;
	[tilespmem:s11+$0xFFFFFF80] =	vst v18  }
0xb2: {  	v18 =	vld [tilespmem:s25+$0xFFFFFF90]  }
0xb3: {  	v9 =	vadd.f32 v9, v10;
	[tilespmem:s18+$0x20] =	vst v7;
	v7 =	vmul.f32 v8, v3;
	v8 =	vld [tilespmem:s23+$0xFFFFFF90]  }
0xb4: {  	v10 =	vmul.f32 v17, v5;
	v17 =	vld [tilespmem:s4+$0x30]  }
0xb5: {  	[tilespmem:s14+$0x40] =	vst v9;
	v9 =	vld [tilespmem:s19+$0x30]  }
0xb6: {  	v38 =	vld [tilespmem:s1+$0x50];
	v7 =	vadd.f32 v10, v7;
	v10 =	vmul.f32 v19, v14;
	v16 =	vmul.f32 v16, v15  }
0xb7: {  	s3 =	simm.s32 $0x9180;
	v19 =	vld [tilespmem:s21+$0x50]  }
0xb8: {  	v43 =	vld [tilespmem:s3+$0xFFFFFF80];
	[tilespmem:s11+$0x0] =	vst v7;
	v7 =	vadd.f32 v16, v10;
	v10 =	vmul.f32 v18, v4;
	v8 =	vmul.f32 v8, v6  }
0xb9: {  	v16 =	vld [tilespmem:s25+$0x10]  }
0xba: {  	v18 =	vld [tilespmem:s23+$0x10];
	[tilespmem:s18+$0xFFFFFFC0] =	vst v7;
	v7 =	vmul.f32 v17, v2;
	v9 =	vmul.f32 v9, v1;
	v8 =	vadd.f32 v8, v10  }
0xbb: {  	v10 =	vld [tilespmem:s4+$0xFFFFFFD0]  }
0xbc: {  	v17 =	vld [tilespmem:s19+$0xFFFFFFD0];
	v19 =	vmul.f32 v19, v11;
	v7 =	vadd.f32 v9, v7;
	v9 =	vmul.f32 v38, v0;
	[tilespmem:s11+$0xFFFFFF90] =	vst v8  }
0xbd: {  	v8 =	vld [tilespmem:s25+$0xFFFFFFA0]  }
0xbe: {  	[tilespmem:s18+$0x30] =	vst v7;
	v7 =	vadd.f32 v9, v19;
	v9 =	vld [tilespmem:s23+$0xFFFFFFA0]  }
0xbf: {  	v46 =	vld [tilespmem:s31+$0x0];
	v16 =	vmul.f32 v16, v3;
	v18 =	vmul.f32 v18, v5  }
0xc0: {  	s17 =	sadd.s32 $0x4, s12;
	v50 =	vld [tilespmem:s3+$0x0]  }
0xc1: {  	s20 =	sadd.s32 $0x2, s17;
	v39 =	vld [tilespmem:s1+$0xFFFFFFF0];
	[tilespmem:s14+$0x50] =	vst v7;
	v7 =	vadd.f32 v18, v16;
	v10 =	vmul.f32 v10, v14;
	v16 =	vmul.f32 v17, v15  }
0xc2: {  	v40 =	vmov s20;
	v19 =	vld [tilespmem:s4+$0x40]  }
0xc3: {  	v17 =	vld [tilespmem:s19+$0x40];
	[tilespmem:s11+$0x10] =	vst v7;
	v7 =	vadd.f32 v16, v10;
	v8 =	vmul.f32 v8, v4;
	v9 =	vmul.f32 v9, v6  }
0xc4: {  	v10 =	vand.u32 $0xFFFFFFFE, v40;
	v41 =	vld [tilespmem:s25+$0x20]  }
0xc5: {  	v10 =	vbroadcast v10, $0x0;
	v23 =	vld [tilespmem:s23+$0x20];
	[tilespmem:s18+$0xFFFFFFD0] =	vst v7;
	v7 =	vadd.f32 v9, v8  }
0xc6: {  	v24 =	vld [tilespmem:s4+$0xFFFFFFE0]  }
0xc7: {  	v25 =	vld [tilespmem:s19+$0xFFFFFFE0];
	[tilespmem:s11+$0xFFFFFFA0] =	vst v7  }
0xc8: {  	v28 =	vld [tilespmem:s25+$0xFFFFFFB0]  }
0xc9: {  	s0 =	sadd.s32 $0x3, s17;
	v29 =	vld [tilespmem:s23+$0xFFFFFFB0]  }
0xca: {  	v27 =	vmov s0;
	v20 =	vld [tilespmem:s21+$0xFFFFFFF0]  }
0xcb: {  	v19 =	vmul.f32 v19, v2;
	v17 =	vmul.f32 v17, v1;
	v8 =	vld.idx.msk [tilespmem:v10+s29+$0x0], $0xffff  }
0xcc: {  	v21 =	vmul.f32 v41, v3;
	v23 =	vmul.f32 v23, v5;
	v9 =	vld.idx.msk [tilespmem:v10+s30+$0x0], $0xffff  }
0xcd: {  	v18 =	vld [tilespmem:s21+$0x60];
	v17 =	vadd.f32 v17, v19;
	v10 =	vmul.f32 v24, v14;
	v42 =	vmul.f32 v25, v15  }
0xce: {  	v16 =	vld [tilespmem:s1+$0x60];
	v44 =	vmul.f32 v28, v4;
	v45 =	vmul.f32 v29, v6  }
0xcf: {  	v7 =	vld.idx.msk [tilespmem:v27+s29+$0x0], $0xffff;
	[tilespmem:s18+$0x40] =	vst v17;
	v21 =	vadd.f32 v23, v21  }
0xd0: {  	v58 =	vld [tilespmem:s4+$0x50];
	v24 =	vadd.f32 v42, v10;
	v47 =	vadd.f32 v45, v44  }
0xd1: {  	v10 =	vld.idx.msk [tilespmem:v27+s30+$0x0], $0xffff;
	[tilespmem:s11+$0x20] =	vst v21;
	v26 =	vmul.f32 v26, v8;
	v25 =	vmul.f32 v43, v9  }
0xd2: {  	v54 =	vld [tilespmem:s25+$0x30];
	[tilespmem:s11+$0xFFFFFFB0] =	vst v47  }
0xd3: {  	v51 =	vadd.f32 v25, v26;
	v52 =	vld [tilespmem:s25+$0xFFFFFFC0]  }
0xd4: {  	s0 =	simm.s32 $0x11180;
	[tilespmem:s18+$0xFFFFFFE0] =	vst v24;
	v53 =	vld [tilespmem:s23+$0xFFFFFFC0]  }
0xd5: {  	v48 =	vld [tilespmem:s4+$0xFFFFFFF0];
	[tilespmem:s0+$0xFFFFFF80] =	vst v51  }
0xd6: {  	v18 =	vmul.f32 v18, v11;
	v16 =	vmul.f32 v16, v0;
	v19 =	vld [tilespmem:s31+$0xFFFFFF90]  }
0xd7: {  	v55 =	vmul.f32 v46, v7;
	v23 =	vmul.f32 v50, v10;
	v56 =	vld [tilespmem:s3+$0xFFFFFF90]  }
0xd8: {  	v16 =	vadd.f32 v16, v18;
	v49 =	vld [tilespmem:s19+$0xFFFFFFF0]  }
0xd9: {  	v17 =	vld [tilespmem:s23+$0x30];
	v18 =	vadd.f32 v23, v55;
	v57 =	vmul.f32 v52, v4;
	v21 =	vmul.f32 v53, v6  }
0xda: {  	[tilespmem:s14+$0x60] =	vst v16;
	v16 =	vld [tilespmem:s19+$0x50]  }
0xdb: {  	v13 =	vmul.f32 v39, v13;
	v12 =	vmul.f32 v20, v12;
	v20 =	vld [tilespmem:s21+$0x70];
	[tilespmem:s0+$0x0] =	vst v18;
	v18 =	vadd.f32 v21, v57  }
0xdc: {  	v60 =	vld [tilespmem:s31+$0x10];
	v19 =	vmul.f32 v19, v8;
	v59 =	vmul.f32 v56, v9  }
0xdd: {  	v12 =	vadd.f32 v13, v12;
	v14 =	vmul.f32 v48, v14;
	v15 =	vmul.f32 v49, v15;
	v61 =	vld [tilespmem:s3+$0x10];
	[tilespmem:s11+$0xFFFFFFC0] =	vst v18  }
0xde: {  	v17 =	vmul.f32 v17, v5;
	v19 =	vadd.f32 v59, v19;
	v18 =	vmul.f32 v54, v3;
	v13 =	vld [tilespmem:s25+$0xFFFFFFD0]  }
0xdf: {  	[tilespmem:s14+$0xFFFFFFF0] =	vst v12;
	v62 =	vmul.f32 v58, v2;
	v63 =	vmul.f32 v16, v1;
	v15 =	vadd.f32 v15, v14;
	v14 =	vld [tilespmem:s23+$0xFFFFFFD0]  }
0xe0: {  	v12 =	vld [tilespmem:s1+$0x70];
	[tilespmem:s0+$0xFFFFFF90] =	vst v19;
	v17 =	vadd.f32 v17, v18  }
0xe1: {  	[tilespmem:s18+$0xFFFFFFF0] =	vst v15;
	v21 =	vadd.f32 v63, v62;
	v16 =	vld [tilespmem:s31+$0xFFFFFFA0]  }
0xe2: {  	v19 =	vmul.f32 v61, v10;
	v18 =	vmul.f32 v60, v7;
	[tilespmem:s11+$0x30] =	vst v17;
	v17 =	vld [tilespmem:s3+$0xFFFFFFA0]  }
0xe3: {  	s20 =	simm.s32 $0x6;
	s21 =	simm.s32 $0x1180;
	s1 =	simm.s32 $0x9180;
	v11 =	vmul.f32 v20, v11;
	[tilespmem:s18+$0x50] =	vst v21;
	v15 =	vld [tilespmem:s25+$0x40]  }
.LBB2_5:
0xe4: {  	s17 =	sadd.s32 s20, s12;
	v18 =	vadd.f32 v19, v18;
	v13 =	vmul.f32 v13, v4;
	v14 =	vmul.f32 v14, v6;
	v19 =	vld [tilespmem:s23+$0x40]  }
0xe5: {  	s6 =	sadd.s32 $0x2, s17;
	s17 =	sadd.s32 $0x3, s17;
	v20 =	vld [tilespmem:s4+$0x60];
	v12 =	vmul.f32 v12, v0;
	v0 =	vmovc v1;
	v1 =	vmov v5;
	v5 =	vmov v10  }
0xe6: {  	v10 =	vmov s6;
	v21 =	vmov s17;
	[tilespmem:s0+$0x10] =	vst v18;
	v13 =	vadd.f32 v14, v13;
	v14 =	vld [tilespmem:s19+$0x60]  }
0xe7: {  	v16 =	vmul.f32 v16, v8;
	v10 =	vand.u32 $0xFFFFFFFE, v10;
	v17 =	vmul.f32 v17, v9;
	v18 =	vld [tilespmem:s31+$0x20]  }
0xe8: {  	v11 =	vadd.f32 v12, v11;
	v10 =	vbroadcast v10, $0x0;
	v22 =	vld [tilespmem:s3+$0x20];
	[tilespmem:s11+$0xFFFFFFD0] =	vst v13;
	v13 =	vmul.f32 v15, v3  }
0xe9: {  	v12 =	vadd.f32 v17, v16;
	v15 =	vld [tilespmem:s25+$0xFFFFFFE0];
	v16 =	vmul.f32 v19, v1  }
0xea: {  	s31 =	sadd.s32 $0x100, s31;
	v17 =	vld [tilespmem:s23+$0xFFFFFFE0];
	v19 =	vmul.f32 v20, v2;
	[tilespmem:s14+$0x70] =	vst v11;
	s14 =	smov.u32 s18;
	s18 =	smov.u32 s11  }
0xeb: {  	s11 =	smov.u32 s0;
	v11 =	vld [tilespmem:s31+$0xFFFFFF80];
	[tilespmem:s0+$0xFFFFFFA0] =	vst v12;
	v12 =	vadd.f32 v16, v13;
	v13 =	vmul.f32 v14, v0  }
0xec: {  	s20 =	sadd.s32 $0x2, s20;
	v14 =	vld [tilespmem:s21+$0xFFFFFFB0];
	v16 =	vmul.f32 v18, v7  }
0xed: {  	p1 =	slt.u32 s20, $0x7E;
	v18 =	vld [tilespmem:s3+$0xFFFFFFB0];
	v20 =	vmul.f32 v22, v5;
	[tilespmem:s18+$0x40] =	vst v12;
	v12 =	vadd.f32 v13, v19  }
0xee: {  	v13 =	vld.idx.msk [tilespmem:v10+s29+$0x0], $0xffff  }
0xef: {  	s3 =	sadd.s32 $0x100, s3;
	v15 =	vmul.f32 v15, v4;
	v19 =	vld.idx.msk [tilespmem:v10+s30+$0x0], $0xffff;
	v10 =	vadd.f32 v20, v16;
	v16 =	vmul.f32 v17, v6  }
0xf0: {  	v17 =	vld [tilespmem:s3+$0xFFFFFF80];
	[tilespmem:s14+$0x60] =	vst v12  }
0xf1: {  	v20 =	vld.idx.msk [tilespmem:v21+s29+$0x0], $0xffff;
	[tilespmem:s0+$0x20] =	vst v10;
	v12 =	vadd.f32 v16, v15  }
0xf2: {  	v14 =	vmul.f32 v14, v8;
	v10 =	vld.idx.msk [tilespmem:v21+s30+$0x0], $0xffff;
	v15 =	vmul.f32 v18, v9  }
0xf3: {  	v16 =	vld [tilespmem:s31+$0x0];
	[tilespmem:s18+$0xFFFFFFE0] =	vst v12  }
0xf4: {  	v12 =	vadd.f32 v15, v14;
	v14 =	vld [tilespmem:s25+$0xFFFFFFF0]  }
0xf5: {  	v11 =	vmul.f32 v11, v13;
	v15 =	vmul.f32 v17, v19;
	v17 =	vld [tilespmem:s23+$0xFFFFFFF0]  }
0xf6: {  	v18 =	vld [tilespmem:s3+$0x0];
	[tilespmem:s0+$0xFFFFFFB0] =	vst v12  }
0xf7: {  	v11 =	vadd.f32 v15, v11;
	v12 =	vld [tilespmem:s21+$0xFFFFFFC0]  }
0xf8: {  	s0 =	sadd.s32 $0x100, s0;
	v15 =	vmul.f32 v16, v20;
	v16 =	vld [tilespmem:s1+$0xFFFFFFC0]  }
0xf9: {  	[tilespmem:s0+$0xFFFFFF80] =	vst v11;
	v11 =	vld [tilespmem:s21+$0x30]  }
0xfa: {  	v14 =	vmul.f32 v14, v4;
	v4 =	vmovc v8;
	v8 =	vmovc v13;
	v21 =	vld [tilespmem:s31+$0xFFFFFF90];
	v17 =	vmul.f32 v17, v6;
	v6 =	vmov v9  }
0xfb: {  	v9 =	vmov v19;
	v13 =	vld [tilespmem:s3+$0xFFFFFF90];
	v18 =	vmul.f32 v18, v10  }
0xfc: {  	v19 =	vld [tilespmem:s1+$0x30];
	v14 =	vadd.f32 v17, v14  }
0xfd: {  	v12 =	vmul.f32 v12, v4;
	v15 =	vadd.f32 v18, v15;
	v16 =	vmul.f32 v16, v6;
	v17 =	vld [tilespmem:s25+$0x50]  }
0xfe: {  	v11 =	vmul.f32 v11, v7;
	[tilespmem:s18+$0xFFFFFFF0] =	vst v14;
	v18 =	vld [tilespmem:s23+$0x50]  }
0xff: {  	[tilespmem:s0+$0x0] =	vst v15;
	v12 =	vadd.f32 v16, v12;
	v15 =	vld [tilespmem:s4+$0x70];
	s4 =	smov.u32 s25;
	s25 =	smov.u32 s21;
	s21 =	smov.u32 s31  }
0x100: {  	v14 =	vmul.f32 v21, v8;
	v13 =	vmul.f32 v13, v9;
	v21 =	vld [tilespmem:s31+$0x10]  }
0x101: {  	v22 =	vld [tilespmem:s3+$0x10];
	[tilespmem:s11+$0xFFFFFFC0] =	vst v12;
	v12 =	vmul.f32 v19, v5  }
0x102: {  	v16 =	vadd.f32 v13, v14;
	v13 =	vld [tilespmem:s25+$0xFFFFFFD0];
	v17 =	vmul.f32 v17, v3  }
.Ltmp3:
0x103: {  	v14 =	vld [tilespmem:s1+$0xFFFFFFD0];
	v19 =	vadd.f32 v12, v11;
	v23 =	vmul.f32 v18, v1;
	(pc) =	sbr.rel @p1 .LBB2_5-.Ltmp3, $4  }
0x104: {  	[tilespmem:s0+$0xFFFFFF90] =	vst v16;
	v11 =	vmul.f32 v15, v2;
	v12 =	vld [tilespmem:s19+$0x70];
	v2 =	vmovc v3;
	v3 =	vmov v7;
	v7 =	vmov v20;
	s19 =	smov.u32 s23;
	s23 =	smov.u32 s1;
	s1 =	smov.u32 s3  }
0x105: {  	v16 =	vld [tilespmem:s31+$0xFFFFFFA0];
	v18 =	vmul.f32 v21, v7;
	[tilespmem:s11+$0x30] =	vst v19;
	v20 =	vadd.f32 v23, v17  }
0x106: {  	v17 =	vld [tilespmem:s3+$0xFFFFFFA0];
	v19 =	vmul.f32 v22, v10  }
0x107: {  	v15 =	vld [tilespmem:s25+$0x40];
	[tilespmem:s18+$0x50] =	vst v20  }
0x108: {  	v18 =	vadd.f32 v19, v18;
	_ =	sdelay $0x1  }
0x109: {  	[tilespmem:s0+$0x10] =	vst v18  }
0x10a: {  	v18 =	vld [tilespmem:s31+$0x20]  }
0x10b: {  	v19 =	vld [tilespmem:s3+$0x20]  }
0x10c: {  	v16 =	vmul.f32 v16, v8;
	v17 =	vmul.f32 v17, v9;
	_ =	sdelay $0x1  }
0x10d: {  	v16 =	vadd.f32 v17, v16;
	_ =	sdelay $0x1  }
0x10e: {  	[tilespmem:s0+$0xFFFFFFA0] =	vst v16;
	v16 =	vmul.f32 v18, v7;
	v17 =	vmul.f32 v19, v10  }
0x10f: {  	v18 =	vld [tilespmem:s21+$0xFFFFFFB0]  }
0x110: {  	v19 =	vld [tilespmem:s3+$0xFFFFFFB0];
	v16 =	vadd.f32 v17, v16;
	_ =	sdelay $0x1  }
0x111: {  	[tilespmem:s0+$0x20] =	vst v16  }
0x112: {  	v16 =	vld [tilespmem:s21+$0x30]  }
0x113: {  	v17 =	vld [tilespmem:s1+$0x30]  }
0x114: {  	v18 =	vmul.f32 v18, v8;
	v19 =	vmul.f32 v19, v9;
	_ =	sdelay $0x1  }
0x115: {  	v18 =	vadd.f32 v19, v18;
	_ =	sdelay $0x1  }
0x116: {  	[tilespmem:s0+$0xFFFFFFB0] =	vst v18;
	v16 =	vmul.f32 v16, v7;
	v17 =	vmul.f32 v17, v10  }
0x117: {  	v18 =	vld [tilespmem:s21+$0xFFFFFFC0]  }
0x118: {  	v19 =	vld [tilespmem:s1+$0xFFFFFFC0];
	v16 =	vadd.f32 v17, v16;
	_ =	sdelay $0x1  }
0x119: {  	v17 =	vld [tilespmem:s23+$0x40];
	[tilespmem:s0+$0x30] =	vst v16  }
0x11a: {  	v16 =	vld [tilespmem:s21+$0x40]  }
0x11b: {  	v20 =	vld [tilespmem:s1+$0x40]  }
0x11c: {  	v18 =	vmul.f32 v18, v8;
	v19 =	vmul.f32 v19, v9;
	_ =	sdelay $0x1  }
0x11d: {  	v15 =	vmul.f32 v15, v3;
	v17 =	vmul.f32 v17, v5;
	v18 =	vadd.f32 v19, v18;
	_ =	sdelay $0x1  }
0x11e: {  	v15 =	vadd.f32 v17, v15;
	[tilespmem:s0+$0xFFFFFFC0] =	vst v18;
	v16 =	vmul.f32 v16, v7;
	v17 =	vmul.f32 v20, v10  }
0x11f: {  	v18 =	vld [tilespmem:s21+$0xFFFFFFD0]  }
0x120: {  	[tilespmem:s11+$0x40] =	vst v15;
	v15 =	vld [tilespmem:s1+$0xFFFFFFD0];
	v16 =	vadd.f32 v17, v16  }
0x121: {  	v13 =	vmul.f32 v13, v4;
	v14 =	vmul.f32 v14, v6;
	v17 =	vld [tilespmem:s25+$0x50]  }
0x122: {  	v19 =	vld [tilespmem:s23+$0x50];
	[tilespmem:s0+$0x40] =	vst v16  }
0x123: {  	v13 =	vadd.f32 v14, v13;
	v14 =	vld [tilespmem:s21+$0x50]  }
0x124: {  	v16 =	vld [tilespmem:s1+$0x50]  }
0x125: {  	[tilespmem:s11+$0xFFFFFFD0] =	vst v13;
	v13 =	vmul.f32 v18, v8;
	v15 =	vmul.f32 v15, v9  }
0x126: {  	v20 =	vld [tilespmem:s23+$0xFFFFFFE0]  }
0x127: {  	v18 =	vld [tilespmem:s25+$0xFFFFFFE0];
	v17 =	vmul.f32 v17, v3;
	v19 =	vmul.f32 v19, v5;
	v13 =	vadd.f32 v15, v13  }
0x128: {  	v21 =	vld [tilespmem:s19+$0x60]  }
0x129: {  	v15 =	vld [tilespmem:s4+$0x60];
	v17 =	vadd.f32 v19, v17;
	[tilespmem:s0+$0xFFFFFFD0] =	vst v13;
	v13 =	vmul.f32 v14, v7;
	v14 =	vmul.f32 v16, v10  }
0x12a: {  	v16 =	vld [tilespmem:s21+$0xFFFFFFE0]  }
0x12b: {  	[tilespmem:s11+$0x50] =	vst v17;
	v17 =	vld [tilespmem:s1+$0xFFFFFFE0];
	v13 =	vadd.f32 v14, v13  }
0x12c: {  	v14 =	vmul.f32 v18, v4;
	v18 =	vmul.f32 v20, v6;
	v19 =	vld [tilespmem:s25+$0x60]  }
0x12d: {  	v20 =	vld [tilespmem:s23+$0x60];
	[tilespmem:s0+$0x50] =	vst v13  }
0x12e: {  	v13 =	vmul.f32 v15, v2;
	v15 =	vmul.f32 v21, v1;
	v14 =	vadd.f32 v18, v14;
	v18 =	vld [tilespmem:s21+$0x60]  }
0x12f: {  	v35 =	vld [tilespmem:s1+$0x60]  }
0x130: {  	v13 =	vadd.f32 v15, v13;
	[tilespmem:s11+$0xFFFFFFE0] =	vst v14;
	v14 =	vmul.f32 v16, v8;
	v15 =	vmul.f32 v17, v9  }
0x131: {  	v16 =	vld [tilespmem:s25+$0xFFFFFFF0]  }
0x132: {  	v17 =	vmul.f32 v19, v3;
	v19 =	vmul.f32 v20, v5;
	[tilespmem:s18+$0x60] =	vst v13;
	v13 =	vld [tilespmem:s23+$0xFFFFFFF0];
	v14 =	vadd.f32 v15, v14  }
0x133: {  	v15 =	vld [tilespmem:s4+$0x70]  }
0x134: {  	v20 =	vld [tilespmem:s19+$0x70];
	v17 =	vadd.f32 v19, v17;
	[tilespmem:s0+$0xFFFFFFE0] =	vst v14;
	v14 =	vmul.f32 v18, v7;
	v18 =	vmul.f32 v35, v10  }
0x135: {  	v19 =	vld [tilespmem:s21+$0xFFFFFFF0]  }
0x136: {  	[tilespmem:s11+$0x60] =	vst v17;
	v17 =	vld [tilespmem:s1+$0xFFFFFFF0];
	v14 =	vadd.f32 v18, v14  }
0x137: {  	v18 =	vld [tilespmem:s25+$0x70]  }
0x138: {  	v36 =	vld [tilespmem:s23+$0x70];
	[tilespmem:s0+$0x60] =	vst v14  }
0x139: {  	v14 =	vld [tilespmem:s21+$0x70]  }
0x13a: {  	v0 =	vmul.f32 v12, v0;
	v12 =	vld [tilespmem:s1+$0x70]  }
0x13b: {  	v4 =	vmul.f32 v16, v4;
	v6 =	vmul.f32 v13, v6  }
0x13c: {  	v0 =	vadd.f32 v0, v11;
	v2 =	vmul.f32 v15, v2;
	v1 =	vmul.f32 v20, v1  }
0x13d: {  	v4 =	vadd.f32 v6, v4;
	v6 =	vmul.f32 v19, v8;
	v8 =	vmul.f32 v17, v9  }
0x13e: {  	[tilespmem:s14+$0x70] =	vst v0;
	v0 =	vadd.f32 v1, v2;
	v1 =	vmul.f32 v18, v3;
	v2 =	vmul.f32 v36, v5  }
0x13f: {  	[tilespmem:s11+$0xFFFFFFF0] =	vst v4;
	v3 =	vadd.f32 v8, v6;
	v4 =	vmul.f32 v14, v7;
	v5 =	vmul.f32 v12, v10  }
0x140: {  	[tilespmem:s18+$0x70] =	vst v0;
	v0 =	vadd.f32 v2, v1  }
0x141: {  	[tilespmem:s0+$0xFFFFFFF0] =	vst v3;
	v1 =	vadd.f32 v5, v4  }
0x142: {  	s18 =	rddreg [dreg:$0x5];
	[tilespmem:s11+$0x70] =	vst v0  }
0x143: {  	s19 =	simm.s32 $0x10E00;
	[tilespmem:s0+$0x70] =	vst v1;
	s0 =	sadd.s32 s18, s13  }
0x144: {  	[hbm4b:s0+s8] =	stream.linear.scatter [tilespmem:s19], [sflag:$0x5], $0x4000, $0x38;
	[tilespmem:$0x18E00] =	vst v63  }
0x145: {  	s0 =	simm.s32 @!p0 $0x7  }
0x146: {  	_ =	swait.ge @!p0 [sflag:s0], $0x4000  }
0x147: {  	[sflag:s0] =	ssyncset.done @!p0 $0x0  }
0x148: {  	s1 =	simm.s32 @!p0 $0xE00;
	[sflag:s0] =	ssyncadd.s32 @!p0 $0xFFFFC000;
	s0 =	simm.s32 @!p0 $0x0  }
0x149: {  	[tilespmem:s1], [sflag:$0x1] =	stream.linear.gather @!p0 [hbm4b:s15+s0], $0x4000, $0x38;
	[tilespmem:$0x18E00] =	vst v63  }
0x14a: {  	s1 =	simm.s32 @!p0 $0x8E00  }
0x14b: {  	[tilespmem:s1], [sflag:$0x3] =	stream.linear.gather @!p0 [hbm4b:s16+s0], $0x4000, $0x38;
	[tilespmem:$0x18E00] =	vst v63  }
0x14c: {  	_ =	swait.ge [sflag:s2], $0x4000  }
0x14d: {  	s20 =	sadd.s32 $0xFFFFFFFE, s12;
	[sflag:s2] =	ssyncset.done $0x0  }
0x14e: {  	s21 =	sadd.s32 $0x82, s20;
	[sflag:s2] =	ssyncadd.s32 $0xFFFFC000  }
0x14f: {  	v0 =	vmov s21;
	_ =	swait.ge [sflag:s5], $0x4000  }
0x150: {  	v0 =	vand.u32 $0xFFFFFFFE, v0;
	s13 =	sor.u32 $0x800, s13;
	[sflag:s5] =	ssyncset.done $0x0  }
0x151: {  	v0 =	vbroadcast v0, $0x0;
	s23 =	sadd.s32 s7, s13;
	s1 =	simm.s32 @p0 $0x6;
	[sflag:s5] =	ssyncadd.s32 $0xFFFFC000  }
0x152: {  	[hbm4b:s23+s8] =	stream.linear.scatter [tilespmem:s22], [sflag:$0x8], $0x4000, $0x38;
	[tilespmem:$0x18E00] =	vst v63  }
0x153: {  	_ =	swait.ge @p0 [sflag:s1], $0x4000  }
0x154: {  	[sflag:s1] =	ssyncset.done @p0 $0x0  }
0x155: {  	s21 =	simm.s32 $0x4E80;
	[sflag:s1] =	ssyncadd.s32 @p0 $0xFFFFC000  }
0x156: {  	v1 =	vld [tilespmem:s21+$0xFFFFFF80]  }
0x157: {  	v12 =	vld.idx.msk [tilespmem:v0+s29+$0x0], $0xffff  }
0x158: {  	s1 =	simm.s32 $0xCE80;
	v13 =	vld.idx.msk [tilespmem:v0+s30+$0x0], $0xffff  }
0x159: {  	v0 =	vld [tilespmem:s1+$0xFFFFFF80];
	_ =	sdelay $0x4  }
0x15a: {  	v1 =	vmul.f32 v1, v12;
	v0 =	vmul.f32 v0, v13;
	_ =	sdelay $0x1  }
0x15b: {  	v0 =	vadd.f32 v0, v1  }
0x15c: {  	s14 =	simm.s32 $0x14E80  }
0x15d: {  	[tilespmem:s14+$0xFFFFFF80] =	vst v0  }
0x15e: {  	s0 =	sadd.s32 $0x83, s20;
	v0 =	vld [tilespmem:s21+$0xFFFFFF90]  }
0x15f: {  	v1 =	vmov s0;
	v2 =	vld [tilespmem:s1+$0xFFFFFF90];
	_ =	sdelay $0x4  }
0x160: {  	v11 =	vld.idx.msk [tilespmem:v1+s29+$0x0], $0xffff;
	v3 =	vmul.f32 v0, v12;
	v2 =	vmul.f32 v2, v13  }
0x161: {  	v0 =	vld.idx.msk [tilespmem:v1+s30+$0x0], $0xffff  }
0x162: {  	v1 =	vld [tilespmem:s21+$0x0];
	v2 =	vadd.f32 v2, v3  }
0x163: {  	v3 =	vld [tilespmem:s1+$0x0]  }
0x164: {  	[tilespmem:s14+$0xFFFFFF90] =	vst v2  }
0x165: {  	v2 =	vld [tilespmem:s21+$0xFFFFFFA0]  }
0x166: {  	v4 =	vld [tilespmem:s1+$0xFFFFFFA0];
	_ =	sdelay $0x1  }
0x167: {  	s25 =	sadd.s32 $0x0, s12;
	v1 =	vmul.f32 v1, v11;
	v3 =	vmul.f32 v3, v0  }
0x168: {  	s4 =	sadd.s32 $0x82, s25  }
0x169: {  	v1 =	vadd.f32 v3, v1;
	v3 =	vmov s4  }
0x16a: {  	v3 =	vand.u32 $0xFFFFFFFE, v3;
	v2 =	vmul.f32 v2, v12;
	v4 =	vmul.f32 v4, v13  }
0x16b: {  	s4 =	simm.s32 $0x4F80;
	[tilespmem:s14+$0x0] =	vst v1;
	v1 =	vbroadcast v3, $0x0  }
0x16c: {  	v5 =	vld [tilespmem:s4+$0xFFFFFF80];
	v2 =	vadd.f32 v4, v2  }
0x16d: {  	v3 =	vld [tilespmem:s21+$0x10]  }
0x16e: {  	v4 =	vld [tilespmem:s1+$0x10];
	[tilespmem:s14+$0xFFFFFFA0] =	vst v2  }
0x16f: {  	v2 =	vld [tilespmem:s21+$0xFFFFFFB0]  }
0x170: {  	v6 =	vld [tilespmem:s1+$0xFFFFFFB0]  }
0x171: {  	v14 =	vld.idx.msk [tilespmem:v1+s29+$0x0], $0xffff  }
0x172: {  	s19 =	simm.s32 $0xCF80;
	v15 =	vld.idx.msk [tilespmem:v1+s30+$0x0], $0xffff  }
0x173: {  	v1 =	vmul.f32 v3, v11;
	v3 =	vmul.f32 v4, v0;
	v4 =	vld [tilespmem:s19+$0xFFFFFF80];
	_ =	sdelay $0x1  }
0x174: {  	v1 =	vadd.f32 v3, v1;
	v2 =	vmul.f32 v2, v12;
	v3 =	vmul.f32 v6, v13;
	_ =	sdelay $0x1  }
0x175: {  	[tilespmem:s14+$0x10] =	vst v1;
	v1 =	vadd.f32 v3, v2  }
0x176: {  	v2 =	vld [tilespmem:s21+$0x20];
	v3 =	vmul.f32 v5, v14;
	v4 =	vmul.f32 v4, v15  }
0x177: {  	s0 =	sadd.s32 $0x83, s25;
	v5 =	vld [tilespmem:s1+$0x20];
	[tilespmem:s14+$0xFFFFFFB0] =	vst v1  }
0x178: {  	v1 =	vmov s0;
	v3 =	vadd.f32 v4, v3;
	v4 =	vld [tilespmem:s21+$0xFFFFFFC0]  }
0x179: {  	s18 =	simm.s32 $0x14F80;
	v6 =	vld [tilespmem:s1+$0xFFFFFFC0]  }
0x17a: {  	[tilespmem:s18+$0xFFFFFF80] =	vst v3  }
0x17b: {  	v3 =	vld [tilespmem:s4+$0xFFFFFF90]  }
0x17c: {  	v7 =	vmul.f32 v2, v11;
	v5 =	vmul.f32 v5, v0;
	v8 =	vld [tilespmem:s19+$0xFFFFFF90]  }
0x17d: {  	v2 =	vld.idx.msk [tilespmem:v1+s29+$0x0], $0xffff  }
0x17e: {  	v5 =	vadd.f32 v5, v7;
	v1 =	vld.idx.msk [tilespmem:v1+s30+$0x0], $0xffff;
	v4 =	vmul.f32 v4, v12;
	v6 =	vmul.f32 v6, v13  }
0x17f: {  	v7 =	vld [tilespmem:s4+$0x0]  }
0x180: {  	[tilespmem:s14+$0x20] =	vst v5;
	v5 =	vld [tilespmem:s19+$0x0];
	v4 =	vadd.f32 v6, v4  }
0x181: {  	v6 =	vld [tilespmem:s21+$0x30];
	v3 =	vmul.f32 v3, v14;
	v8 =	vmul.f32 v8, v15  }
0x182: {  	v9 =	vld [tilespmem:s1+$0x30];
	[tilespmem:s14+$0xFFFFFFC0] =	vst v4  }
0x183: {  	v3 =	vadd.f32 v8, v3;
	v4 =	vld [tilespmem:s21+$0xFFFFFFD0]  }
0x184: {  	v8 =	vld [tilespmem:s1+$0xFFFFFFD0]  }
0x185: {  	v7 =	vmul.f32 v7, v2;
	v5 =	vmul.f32 v5, v1;
	[tilespmem:s18+$0xFFFFFF90] =	vst v3  }
0x186: {  	v3 =	vld [tilespmem:s4+$0xFFFFFFA0]  }
0x187: {  	v6 =	vmul.f32 v6, v11;
	v5 =	vadd.f32 v5, v7;
	v7 =	vmul.f32 v9, v0;
	v9 =	vld [tilespmem:s19+$0xFFFFFFA0]  }
0x188: {  	s23 =	simm.s32 $0xD080  }
0x189: {  	s6 =	sadd.s32 $0x2, s12;
	v20 =	vld [tilespmem:s23+$0xFFFFFF80];
	[tilespmem:s18+$0x0] =	vst v5;
	v5 =	vadd.f32 v7, v6;
	v4 =	vmul.f32 v4, v12;
	v6 =	vmul.f32 v8, v13  }
0x18a: {  	s11 =	sadd.s32 $0x82, s6;
	v7 =	vld [tilespmem:s4+$0x10]  }
0x18b: {  	s31 =	simm.s32 $0x5180;
	v8 =	vld [tilespmem:s19+$0x10];
	[tilespmem:s14+$0x30] =	vst v5;
	v5 =	vmov s11;
	v4 =	vadd.f32 v6, v4  }
0x18c: {  	v26 =	vld [tilespmem:s31+$0xFFFFFF80];
	s25 =	simm.s32 $0x5080;
	v3 =	vmul.f32 v3, v14;
	v5 =	vand.u32 $0xFFFFFFFE, v5;
	v6 =	vmul.f32 v9, v15  }
0x18d: {  	v18 =	vld [tilespmem:s25+$0xFFFFFF80];
	v5 =	vbroadcast v5, $0x0  }
0x18e: {  	v10 =	vld [tilespmem:s21+$0x40];
	[tilespmem:s14+$0xFFFFFFD0] =	vst v4;
	v3 =	vadd.f32 v6, v3  }
0x18f: {  	v16 =	vld [tilespmem:s21+$0xFFFFFFE0]  }
0x190: {  	v17 =	vld [tilespmem:s1+$0xFFFFFFE0];
	v4 =	vmul.f32 v8, v1;
	[tilespmem:s18+$0xFFFFFFA0] =	vst v3;
	v3 =	vmul.f32 v7, v2  }
0x191: {  	v7 =	vld [tilespmem:s4+$0xFFFFFFB0]  }
0x192: {  	s0 =	sadd.s32 $0x83, s6;
	v8 =	vld [tilespmem:s19+$0xFFFFFFB0];
	v3 =	vadd.f32 v4, v3  }
0x193: {  	v19 =	vmov s0;
	v4 =	vld.idx.msk [tilespmem:v5+s29+$0x0], $0xffff  }
0x194: {  	v6 =	vld.idx.msk [tilespmem:v5+s30+$0x0], $0xffff;
	[tilespmem:s18+$0x10] =	vst v3  }
0x195: {  	v37 =	vld [tilespmem:s4+$0x20]  }
0x196: {  	v22 =	vld [tilespmem:s19+$0x20]  }
0x197: {  	v9 =	vld [tilespmem:s1+$0x40];
	v7 =	vmul.f32 v7, v14;
	v8 =	vmul.f32 v8, v15  }
0x198: {  	v16 =	vmul.f32 v16, v12;
	v17 =	vmul.f32 v17, v13;
	v5 =	vld.idx.msk [tilespmem:v19+s30+$0x0], $0xffff  }
0x199: {  	v3 =	vld.idx.msk [tilespmem:v19+s29+$0x0], $0xffff;
	v7 =	vadd.f32 v8, v7;
	v18 =	vmul.f32 v18, v4;
	v19 =	vmul.f32 v20, v6  }
0x19a: {  	v16 =	vadd.f32 v17, v16;
	v8 =	vld [tilespmem:s25+$0x0]  }
0x19b: {  	v17 =	vld [tilespmem:s23+$0x0];
	[tilespmem:s18+$0xFFFFFFB0] =	vst v7;
	v7 =	vmul.f32 v37, v2;
	v20 =	vmul.f32 v22, v1;
	v18 =	vadd.f32 v19, v18  }
0x19c: {  	s11 =	simm.s32 $0x15080;
	[tilespmem:s14+$0xFFFFFFE0] =	vst v16;
	v19 =	vld [tilespmem:s4+$0xFFFFFFC0]  }
0x19d: {  	v10 =	vmul.f32 v10, v11;
	v9 =	vmul.f32 v9, v0;
	v16 =	vld [tilespmem:s19+$0xFFFFFFC0];
	v7 =	vadd.f32 v20, v7;
	[tilespmem:s11+$0xFFFFFF80] =	vst v18  }
0x19e: {  	v18 =	vld [tilespmem:s25+$0xFFFFFF90]  }
0x19f: {  	v9 =	vadd.f32 v9, v10;
	[tilespmem:s18+$0x20] =	vst v7;
	v7 =	vmul.f32 v8, v3;
	v8 =	vld [tilespmem:s23+$0xFFFFFF90]  }
0x1a0: {  	v10 =	vmul.f32 v17, v5;
	v17 =	vld [tilespmem:s4+$0x30]  }
0x1a1: {  	[tilespmem:s14+$0x40] =	vst v9;
	v9 =	vld [tilespmem:s19+$0x30]  }
0x1a2: {  	v38 =	vld [tilespmem:s1+$0x50];
	v7 =	vadd.f32 v10, v7;
	v10 =	vmul.f32 v19, v14;
	v16 =	vmul.f32 v16, v15  }
0x1a3: {  	s3 =	simm.s32 $0xD180;
	v19 =	vld [tilespmem:s21+$0x50]  }
0x1a4: {  	v43 =	vld [tilespmem:s3+$0xFFFFFF80];
	[tilespmem:s11+$0x0] =	vst v7;
	v7 =	vadd.f32 v16, v10;
	v10 =	vmul.f32 v18, v4;
	v8 =	vmul.f32 v8, v6  }
0x1a5: {  	v16 =	vld [tilespmem:s25+$0x10]  }
0x1a6: {  	v18 =	vld [tilespmem:s23+$0x10];
	[tilespmem:s18+$0xFFFFFFC0] =	vst v7;
	v7 =	vmul.f32 v17, v2;
	v9 =	vmul.f32 v9, v1;
	v8 =	vadd.f32 v8, v10  }
0x1a7: {  	v10 =	vld [tilespmem:s4+$0xFFFFFFD0]  }
0x1a8: {  	v17 =	vld [tilespmem:s19+$0xFFFFFFD0];
	v19 =	vmul.f32 v19, v11;
	v7 =	vadd.f32 v9, v7;
	v9 =	vmul.f32 v38, v0;
	[tilespmem:s11+$0xFFFFFF90] =	vst v8  }
0x1a9: {  	v8 =	vld [tilespmem:s25+$0xFFFFFFA0]  }
0x1aa: {  	[tilespmem:s18+$0x30] =	vst v7;
	v7 =	vadd.f32 v9, v19;
	v9 =	vld [tilespmem:s23+$0xFFFFFFA0]  }
0x1ab: {  	v46 =	vld [tilespmem:s31+$0x0];
	v16 =	vmul.f32 v16, v3;
	v18 =	vmul.f32 v18, v5  }
0x1ac: {  	s17 =	sadd.s32 $0x4, s12;
	v50 =	vld [tilespmem:s3+$0x0]  }
0x1ad: {  	s20 =	sadd.s32 $0x82, s17;
	v39 =	vld [tilespmem:s1+$0xFFFFFFF0];
	[tilespmem:s14+$0x50] =	vst v7;
	v7 =	vadd.f32 v18, v16;
	v10 =	vmul.f32 v10, v14;
	v16 =	vmul.f32 v17, v15  }
0x1ae: {  	v40 =	vmov s20;
	v19 =	vld [tilespmem:s4+$0x40]  }
0x1af: {  	v17 =	vld [tilespmem:s19+$0x40];
	[tilespmem:s11+$0x10] =	vst v7;
	v7 =	vadd.f32 v16, v10;
	v8 =	vmul.f32 v8, v4;
	v9 =	vmul.f32 v9, v6  }
0x1b0: {  	v10 =	vand.u32 $0xFFFFFFFE, v40;
	v41 =	vld [tilespmem:s25+$0x20]  }
0x1b1: {  	v10 =	vbroadcast v10, $0x0;
	v23 =	vld [tilespmem:s23+$0x20];
	[tilespmem:s18+$0xFFFFFFD0] =	vst v7;
	v7 =	vadd.f32 v9, v8  }
0x1b2: {  	v24 =	vld [tilespmem:s4+$0xFFFFFFE0]  }
0x1b3: {  	v25 =	vld [tilespmem:s19+$0xFFFFFFE0];
	[tilespmem:s11+$0xFFFFFFA0] =	vst v7  }
0x1b4: {  	v28 =	vld [tilespmem:s25+$0xFFFFFFB0]  }
0x1b5: {  	s0 =	sadd.s32 $0x83, s17;
	v29 =	vld [tilespmem:s23+$0xFFFFFFB0]  }
0x1b6: {  	v27 =	vmov s0;
	v20 =	vld [tilespmem:s21+$0xFFFFFFF0]  }
0x1b7: {  	v19 =	vmul.f32 v19, v2;
	v17 =	vmul.f32 v17, v1;
	v8 =	vld.idx.msk [tilespmem:v10+s29+$0x0], $0xffff  }
0x1b8: {  	v21 =	vmul.f32 v41, v3;
	v23 =	vmul.f32 v23, v5;
	v9 =	vld.idx.msk [tilespmem:v10+s30+$0x0], $0xffff  }
0x1b9: {  	v18 =	vld [tilespmem:s21+$0x60];
	v17 =	vadd.f32 v17, v19;
	v10 =	vmul.f32 v24, v14;
	v42 =	vmul.f32 v25, v15  }
0x1ba: {  	v16 =	vld [tilespmem:s1+$0x60];
	v44 =	vmul.f32 v28, v4;
	v45 =	vmul.f32 v29, v6  }
0x1bb: {  	v7 =	vld.idx.msk [tilespmem:v27+s29+$0x0], $0xffff;
	[tilespmem:s18+$0x40] =	vst v17;
	v21 =	vadd.f32 v23, v21  }
0x1bc: {  	v58 =	vld [tilespmem:s4+$0x50];
	v24 =	vadd.f32 v42, v10;
	v47 =	vadd.f32 v45, v44  }
0x1bd: {  	v10 =	vld.idx.msk [tilespmem:v27+s30+$0x0], $0xffff;
	[tilespmem:s11+$0x20] =	vst v21;
	v26 =	vmul.f32 v26, v8;
	v25 =	vmul.f32 v43, v9  }
0x1be: {  	v54 =	vld [tilespmem:s25+$0x30];
	[tilespmem:s11+$0xFFFFFFB0] =	vst v47  }
0x1bf: {  	v51 =	vadd.f32 v25, v26;
	v52 =	vld [tilespmem:s25+$0xFFFFFFC0]  }
0x1c0: {  	s0 =	simm.s32 $0x15180;
	[tilespmem:s18+$0xFFFFFFE0] =	vst v24;
	v53 =	vld [tilespmem:s23+$0xFFFFFFC0]  }
0x1c1: {  	v48 =	vld [tilespmem:s4+$0xFFFFFFF0];
	[tilespmem:s0+$0xFFFFFF80] =	vst v51  }
0x1c2: {  	v18 =	vmul.f32 v18, v11;
	v16 =	vmul.f32 v16, v0;
	v19 =	vld [tilespmem:s31+$0xFFFFFF90]  }
0x1c3: {  	v55 =	vmul.f32 v46, v7;
	v23 =	vmul.f32 v50, v10;
	v56 =	vld [tilespmem:s3+$0xFFFFFF90]  }
0x1c4: {  	v16 =	vadd.f32 v16, v18;
	v49 =	vld [tilespmem:s19+$0xFFFFFFF0]  }
0x1c5: {  	v17 =	vld [tilespmem:s23+$0x30];
	v18 =	vadd.f32 v23, v55;
	v57 =	vmul.f32 v52, v4;
	v21 =	vmul.f32 v53, v6  }
0x1c6: {  	[tilespmem:s14+$0x60] =	vst v16;
	v16 =	vld [tilespmem:s19+$0x50]  }
0x1c7: {  	v13 =	vmul.f32 v39, v13;
	v12 =	vmul.f32 v20, v12;
	v20 =	vld [tilespmem:s21+$0x70];
	[tilespmem:s0+$0x0] =	vst v18;
	v18 =	vadd.f32 v21, v57  }
0x1c8: {  	v60 =	vld [tilespmem:s31+$0x10];
	v19 =	vmul.f32 v19, v8;
	v59 =	vmul.f32 v56, v9  }
0x1c9: {  	v12 =	vadd.f32 v13, v12;
	v14 =	vmul.f32 v48, v14;
	v15 =	vmul.f32 v49, v15;
	v61 =	vld [tilespmem:s3+$0x10];
	[tilespmem:s11+$0xFFFFFFC0] =	vst v18  }
0x1ca: {  	v17 =	vmul.f32 v17, v5;
	v19 =	vadd.f32 v59, v19;
	v18 =	vmul.f32 v54, v3;
	v13 =	vld [tilespmem:s25+$0xFFFFFFD0]  }
0x1cb: {  	[tilespmem:s14+$0xFFFFFFF0] =	vst v12;
	v62 =	vmul.f32 v58, v2;
	v63 =	vmul.f32 v16, v1;
	v15 =	vadd.f32 v15, v14;
	v14 =	vld [tilespmem:s23+$0xFFFFFFD0]  }
0x1cc: {  	v12 =	vld [tilespmem:s1+$0x70];
	[tilespmem:s0+$0xFFFFFF90] =	vst v19;
	v17 =	vadd.f32 v17, v18  }
0x1cd: {  	[tilespmem:s18+$0xFFFFFFF0] =	vst v15;
	v21 =	vadd.f32 v63, v62;
	v16 =	vld [tilespmem:s31+$0xFFFFFFA0]  }
0x1ce: {  	v19 =	vmul.f32 v61, v10;
	v18 =	vmul.f32 v60, v7;
	[tilespmem:s11+$0x30] =	vst v17;
	v17 =	vld [tilespmem:s3+$0xFFFFFFA0]  }
0x1cf: {  	s20 =	simm.s32 $0x6;
	s21 =	simm.s32 $0x5180;
	s1 =	simm.s32 $0xD180;
	v11 =	vmul.f32 v20, v11;
	[tilespmem:s18+$0x50] =	vst v21;
	v15 =	vld [tilespmem:s25+$0x40]  }
.LBB2_7:
0x1d0: {  	s6 =	sadd.s32 s20, s12;
	v18 =	vadd.f32 v19, v18;
	v13 =	vmul.f32 v13, v4;
	v14 =	vmul.f32 v14, v6;
	v19 =	vld [tilespmem:s23+$0x40]  }
0x1d1: {  	s17 =	sadd.s32 $0x82, s6;
	s6 =	sadd.s32 $0x83, s6;
	v20 =	vld [tilespmem:s4+$0x60];
	v12 =	vmul.f32 v12, v0;
	v0 =	vmovc v1;
	v1 =	vmov v5;
	v5 =	vmov v10  }
0x1d2: {  	v10 =	vmov s17;
	v21 =	vmov s6;
	[tilespmem:s0+$0x10] =	vst v18;
	v13 =	vadd.f32 v14, v13;
	v14 =	vld [tilespmem:s19+$0x60]  }
0x1d3: {  	v16 =	vmul.f32 v16, v8;
	v10 =	vand.u32 $0xFFFFFFFE, v10;
	v17 =	vmul.f32 v17, v9;
	v18 =	vld [tilespmem:s31+$0x20]  }
0x1d4: {  	v11 =	vadd.f32 v12, v11;
	v10 =	vbroadcast v10, $0x0;
	v22 =	vld [tilespmem:s3+$0x20];
	[tilespmem:s11+$0xFFFFFFD0] =	vst v13;
	v13 =	vmul.f32 v15, v3  }
0x1d5: {  	v12 =	vadd.f32 v17, v16;
	v15 =	vld [tilespmem:s25+$0xFFFFFFE0];
	v16 =	vmul.f32 v19, v1  }
0x1d6: {  	s31 =	sadd.s32 $0x100, s31;
	v17 =	vld [tilespmem:s23+$0xFFFFFFE0];
	v19 =	vmul.f32 v20, v2;
	[tilespmem:s14+$0x70] =	vst v11;
	s14 =	smov.u32 s18;
	s18 =	smov.u32 s11  }
0x1d7: {  	s11 =	smov.u32 s0;
	v11 =	vld [tilespmem:s31+$0xFFFFFF80];
	[tilespmem:s0+$0xFFFFFFA0] =	vst v12;
	v12 =	vadd.f32 v16, v13;
	v13 =	vmul.f32 v14, v0  }
0x1d8: {  	s20 =	sadd.s32 $0x2, s20;
	v14 =	vld [tilespmem:s21+$0xFFFFFFB0];
	v16 =	vmul.f32 v18, v7  }
0x1d9: {  	p1 =	slt.u32 s20, $0x7E;
	v18 =	vld [tilespmem:s3+$0xFFFFFFB0];
	v20 =	vmul.f32 v22, v5;
	[tilespmem:s18+$0x40] =	vst v12;
	v12 =	vadd.f32 v13, v19  }
0x1da: {  	v13 =	vld.idx.msk [tilespmem:v10+s29+$0x0], $0xffff  }
0x1db: {  	s3 =	sadd.s32 $0x100, s3;
	v15 =	vmul.f32 v15, v4;
	v19 =	vld.idx.msk [tilespmem:v10+s30+$0x0], $0xffff;
	v10 =	vadd.f32 v20, v16;
	v16 =	vmul.f32 v17, v6  }
0x1dc: {  	v17 =	vld [tilespmem:s3+$0xFFFFFF80];
	[tilespmem:s14+$0x60] =	vst v12  }
0x1dd: {  	v20 =	vld.idx.msk [tilespmem:v21+s29+$0x0], $0xffff;
	[tilespmem:s0+$0x20] =	vst v10;
	v12 =	vadd.f32 v16, v15  }
0x1de: {  	v14 =	vmul.f32 v14, v8;
	v10 =	vld.idx.msk [tilespmem:v21+s30+$0x0], $0xffff;
	v15 =	vmul.f32 v18, v9  }
0x1df: {  	v16 =	vld [tilespmem:s31+$0x0];
	[tilespmem:s18+$0xFFFFFFE0] =	vst v12  }
0x1e0: {  	v12 =	vadd.f32 v15, v14;
	v14 =	vld [tilespmem:s25+$0xFFFFFFF0]  }
0x1e1: {  	v11 =	vmul.f32 v11, v13;
	v15 =	vmul.f32 v17, v19;
	v17 =	vld [tilespmem:s23+$0xFFFFFFF0]  }
0x1e2: {  	v18 =	vld [tilespmem:s3+$0x0];
	[tilespmem:s0+$0xFFFFFFB0] =	vst v12  }
0x1e3: {  	v11 =	vadd.f32 v15, v11;
	v12 =	vld [tilespmem:s21+$0xFFFFFFC0]  }
0x1e4: {  	s0 =	sadd.s32 $0x100, s0;
	v15 =	vmul.f32 v16, v20;
	v16 =	vld [tilespmem:s1+$0xFFFFFFC0]  }
0x1e5: {  	[tilespmem:s0+$0xFFFFFF80] =	vst v11;
	v11 =	vld [tilespmem:s21+$0x30]  }
0x1e6: {  	v14 =	vmul.f32 v14, v4;
	v4 =	vmovc v8;
	v8 =	vmovc v13;
	v21 =	vld [tilespmem:s31+$0xFFFFFF90];
	v17 =	vmul.f32 v17, v6;
	v6 =	vmov v9  }
0x1e7: {  	v9 =	vmov v19;
	v13 =	vld [tilespmem:s3+$0xFFFFFF90];
	v18 =	vmul.f32 v18, v10  }
0x1e8: {  	v19 =	vld [tilespmem:s1+$0x30];
	v14 =	vadd.f32 v17, v14  }
0x1e9: {  	v12 =	vmul.f32 v12, v4;
	v15 =	vadd.f32 v18, v15;
	v16 =	vmul.f32 v16, v6;
	v17 =	vld [tilespmem:s25+$0x50]  }
0x1ea: {  	v11 =	vmul.f32 v11, v7;
	[tilespmem:s18+$0xFFFFFFF0] =	vst v14;
	v18 =	vld [tilespmem:s23+$0x50]  }
0x1eb: {  	[tilespmem:s0+$0x0] =	vst v15;
	v12 =	vadd.f32 v16, v12;
	v15 =	vld [tilespmem:s4+$0x70];
	s4 =	smov.u32 s25;
	s25 =	smov.u32 s21;
	s21 =	smov.u32 s31  }
0x1ec: {  	v14 =	vmul.f32 v21, v8;
	v13 =	vmul.f32 v13, v9;
	v21 =	vld [tilespmem:s31+$0x10]  }
0x1ed: {  	v22 =	vld [tilespmem:s3+$0x10];
	[tilespmem:s11+$0xFFFFFFC0] =	vst v12;
	v12 =	vmul.f32 v19, v5  }
0x1ee: {  	v16 =	vadd.f32 v13, v14;
	v13 =	vld [tilespmem:s25+$0xFFFFFFD0];
	v17 =	vmul.f32 v17, v3  }
.Ltmp4:
0x1ef: {  	v14 =	vld [tilespmem:s1+$0xFFFFFFD0];
	v19 =	vadd.f32 v12, v11;
	v23 =	vmul.f32 v18, v1;
	(pc) =	sbr.rel @p1 .LBB2_7-.Ltmp4, $4  }
0x1f0: {  	[tilespmem:s0+$0xFFFFFF90] =	vst v16;
	v11 =	vmul.f32 v15, v2;
	v12 =	vld [tilespmem:s19+$0x70];
	v2 =	vmovc v3;
	v3 =	vmov v7;
	v7 =	vmov v20;
	s19 =	smov.u32 s23;
	s23 =	smov.u32 s1;
	s1 =	smov.u32 s3  }
0x1f1: {  	v16 =	vld [tilespmem:s31+$0xFFFFFFA0];
	v18 =	vmul.f32 v21, v7;
	[tilespmem:s11+$0x30] =	vst v19;
	v20 =	vadd.f32 v23, v17  }
0x1f2: {  	v17 =	vld [tilespmem:s3+$0xFFFFFFA0];
	v19 =	vmul.f32 v22, v10  }
0x1f3: {  	v15 =	vld [tilespmem:s25+$0x40];
	[tilespmem:s18+$0x50] =	vst v20  }
0x1f4: {  	v18 =	vadd.f32 v19, v18;
	_ =	sdelay $0x1  }
0x1f5: {  	[tilespmem:s0+$0x10] =	vst v18  }
0x1f6: {  	v18 =	vld [tilespmem:s31+$0x20]  }
0x1f7: {  	v47 =	vld [tilespmem:s3+$0x20];
	_ =	sdelay $0x2  }
0x1f8: {  	v16 =	vmul.f32 v16, v8;
	v17 =	vmul.f32 v17, v9;
	_ =	sdelay $0x1  }
0x1f9: {  	v16 =	vadd.f32 v17, v16;
	v48 =	vmul.f32 v18, v7;
	v49 =	vmul.f32 v47, v10;
	_ =	sdelay $0x1  }
0x1fa: {  	[tilespmem:s0+$0xFFFFFFA0] =	vst v16;
	v16 =	vadd.f32 v49, v48  }
0x1fb: {  	v50 =	vld [tilespmem:s21+$0xFFFFFFB0]  }
0x1fc: {  	v51 =	vld [tilespmem:s3+$0xFFFFFFB0];
	[tilespmem:s0+$0x20] =	vst v16  }
0x1fd: {  	v16 =	vld [tilespmem:s21+$0x30]  }
0x1fe: {  	v52 =	vld [tilespmem:s1+$0x30];
	_ =	sdelay $0x2  }
0x1ff: {  	v18 =	vmul.f32 v50, v8;
	v19 =	vmul.f32 v51, v9;
	_ =	sdelay $0x1  }
0x200: {  	v18 =	vadd.f32 v19, v18;
	v16 =	vmul.f32 v16, v7;
	v17 =	vmul.f32 v52, v10;
	_ =	sdelay $0x1  }
0x201: {  	v54 =	vld [tilespmem:s23+$0x40];
	[tilespmem:s0+$0xFFFFFFB0] =	vst v18;
	v16 =	vadd.f32 v17, v16  }
0x202: {  	v18 =	vld [tilespmem:s21+$0xFFFFFFC0]  }
0x203: {  	v53 =	vld [tilespmem:s1+$0xFFFFFFC0];
	[tilespmem:s0+$0x30] =	vst v16  }
0x204: {  	v16 =	vld [tilespmem:s21+$0x40]  }
0x205: {  	v20 =	vld [tilespmem:s1+$0x40]  }
0x206: {  	v15 =	vmul.f32 v15, v3;
	v17 =	vmul.f32 v54, v5;
	_ =	sdelay $0x1  }
0x207: {  	v15 =	vadd.f32 v17, v15;
	v18 =	vmul.f32 v18, v8;
	v19 =	vmul.f32 v53, v9;
	_ =	sdelay $0x1  }
0x208: {  	[tilespmem:s11+$0x40] =	vst v15;
	v18 =	vadd.f32 v19, v18;
	v16 =	vmul.f32 v16, v7;
	v55 =	vmul.f32 v20, v10  }
0x209: {  	v57 =	vld [tilespmem:s25+$0x50]  }
0x20a: {  	v58 =	vld [tilespmem:s23+$0x50];
	[tilespmem:s0+$0xFFFFFFC0] =	vst v18;
	v16 =	vadd.f32 v55, v16  }
0x20b: {  	v13 =	vmul.f32 v13, v4;
	v14 =	vmul.f32 v14, v6;
	v18 =	vld [tilespmem:s21+$0xFFFFFFD0]  }
0x20c: {  	v56 =	vld [tilespmem:s1+$0xFFFFFFD0];
	[tilespmem:s0+$0x40] =	vst v16  }
0x20d: {  	v13 =	vadd.f32 v14, v13;
	v59 =	vld [tilespmem:s21+$0x50]  }
0x20e: {  	v16 =	vld [tilespmem:s1+$0x50]  }
0x20f: {  	[tilespmem:s11+$0xFFFFFFD0] =	vst v13;
	v17 =	vmul.f32 v57, v3;
	v19 =	vmul.f32 v58, v5  }
0x210: {  	v61 =	vld [tilespmem:s25+$0xFFFFFFE0]  }
0x211: {  	v62 =	vld [tilespmem:s23+$0xFFFFFFE0];
	v17 =	vadd.f32 v19, v17;
	v60 =	vmul.f32 v18, v8;
	v15 =	vmul.f32 v56, v9  }
0x212: {  	v63 =	vld [tilespmem:s4+$0x60]  }
0x213: {  	v21 =	vld [tilespmem:s19+$0x60];
	[tilespmem:s11+$0x50] =	vst v17;
	v13 =	vadd.f32 v15, v60;
	v23 =	vmul.f32 v59, v7;
	v24 =	vmul.f32 v16, v10  }
0x214: {  	v29 =	vld [tilespmem:s25+$0x60]  }
0x215: {  	v30 =	vld [tilespmem:s23+$0x60];
	[tilespmem:s0+$0xFFFFFFD0] =	vst v13;
	v13 =	vadd.f32 v24, v23  }
0x216: {  	v27 =	vmul.f32 v61, v4;
	v28 =	vmul.f32 v62, v6;
	v25 =	vld [tilespmem:s21+$0xFFFFFFE0]  }
0x217: {  	v26 =	vld [tilespmem:s1+$0xFFFFFFE0];
	[tilespmem:s0+$0x50] =	vst v13  }
0x218: {  	v31 =	vmul.f32 v63, v2;
	v32 =	vmul.f32 v21, v1;
	v14 =	vadd.f32 v28, v27;
	v33 =	vld [tilespmem:s21+$0x60]  }
0x219: {  	v34 =	vld [tilespmem:s1+$0x60]  }
0x21a: {  	[tilespmem:s11+$0xFFFFFFE0] =	vst v14;
	v39 =	vmul.f32 v29, v3;
	v40 =	vmul.f32 v30, v5;
	v13 =	vadd.f32 v32, v31  }
0x21b: {  	v37 =	vld [tilespmem:s25+$0xFFFFFFF0]  }
0x21c: {  	v38 =	vld [tilespmem:s23+$0xFFFFFFF0];
	v17 =	vadd.f32 v40, v39;
	v35 =	vmul.f32 v25, v8;
	v36 =	vmul.f32 v26, v9;
	[tilespmem:s18+$0x60] =	vst v13  }
0x21d: {  	v41 =	vld [tilespmem:s4+$0x70]  }
0x21e: {  	[tilespmem:s11+$0x60] =	vst v17;
	v14 =	vadd.f32 v36, v35;
	v42 =	vld [tilespmem:s19+$0x70];
	v43 =	vmul.f32 v33, v7;
	v44 =	vmul.f32 v34, v10  }
0x21f: {  	v47 =	vld [tilespmem:s25+$0x70]  }
0x220: {  	v48 =	vld [tilespmem:s23+$0x70];
	[tilespmem:s0+$0xFFFFFFE0] =	vst v14;
	v14 =	vadd.f32 v44, v43  }
0x221: {  	v45 =	vld [tilespmem:s21+$0xFFFFFFF0]  }
0x222: {  	v46 =	vld [tilespmem:s1+$0xFFFFFFF0];
	[tilespmem:s0+$0x60] =	vst v14  }
0x223: {  	v14 =	vld [tilespmem:s21+$0x70]  }
0x224: {  	v0 =	vmul.f32 v12, v0;
	v49 =	vld [tilespmem:s1+$0x70]  }
0x225: {  	v50 =	vmul.f32 v37, v4;
	v51 =	vmul.f32 v38, v6  }
0x226: {  	v0 =	vadd.f32 v0, v11;
	v52 =	vmul.f32 v41, v2;
	v53 =	vmul.f32 v42, v1  }
0x227: {  	v4 =	vadd.f32 v51, v50;
	v57 =	vmul.f32 v47, v3;
	v58 =	vmul.f32 v48, v5  }
0x228: {  	[tilespmem:s14+$0x70] =	vst v0;
	v56 =	vadd.f32 v53, v52;
	v54 =	vmul.f32 v45, v8;
	v55 =	vmul.f32 v46, v9  }
0x229: {  	[tilespmem:s11+$0xFFFFFFF0] =	vst v4;
	v62 =	vadd.f32 v58, v57;
	v60 =	vmul.f32 v14, v7;
	v61 =	vmul.f32 v49, v10  }
.Ltmp5:
0x22a: {  	[tilespmem:s18+$0x70] =	vst v56;
	v59 =	vadd.f32 v55, v54;
	(pc) =	sbr.rel @p0 .LBB2_10-.Ltmp5, $4  }
0x22b: {  	[tilespmem:s11+$0x70] =	vst v62;
	v63 =	vadd.f32 v61, v60  }
0x22c: {  	s25 =	rddreg [dreg:$0x5];
	[tilespmem:s0+$0xFFFFFFF0] =	vst v59  }
0x22d: {  	s31 =	simm.s32 $0x14E00;
	[tilespmem:s0+$0x70] =	vst v63;
	s0 =	sadd.s32 s25, s13  }
0x22e: {  	[hbm4b:s0+s8] =	stream.linear.scatter [tilespmem:s31], [sflag:$0x6], $0x4000, $0x38;
	[tilespmem:$0x18E00] =	vst v63  }
0x22f: {  	_ =	swait.ge [sflag:s10], $0x4000  }
0x230: {  	s0 =	rddreg [dreg:$0xd];
	[sflag:s10] =	ssyncset.done $0x0  }
0x231: {  	s0 =	sadd.s32 s12, s0;
	[sflag:s10] =	ssyncadd.s32 $0xFFFFC000  }
.Ltmp6:
0x232: {  	s0 =	sshll.u32 s0, $0x4;
	s1 =	rddreg [dreg:$0x0];
	(pc) =	sbr.rel .LBB2_4-.Ltmp6, $4  }
0x233: {  	s3 =	simm.s32 $0x4E00;
	s31 =	rddreg [dreg:$0x1];
	s1 =	sadd.s32 s1, s0  }
0x234: {  	[tilespmem:s3], [sflag:$0x2] =	stream.linear.gather [hbm4b:s1+s8], $0x4000, $0x38;
	[tilespmem:$0x18E00] =	vst v63  }
0x235: {  	p0 =	por $0x1, $0x1;
	s12 =	simm.s32 $0x100;
	s0 =	sadd.s32 s31, s0  }
0x236: {  	[tilespmem:s22], [sflag:$0x4] =	stream.linear.gather [hbm4b:s0+s8], $0x4000, $0x38;
	[tilespmem:$0x18E00] =	vst v63  }
.LBB2_11:
0x237: {  	_ =	sfence.sel $0x180000  }
0x238: {  	[bflag:$0x0] =	sbarrier.arrive $0xFFFF  }
0x239: {  	_ =	strace $0x90000047  }
0x23a: {  	s0 =	stileid.u32;
	[bflag:$0x2] =	sbarrier.arrive $0xFFFF  }
0x23b: {  	p0 =	sne.s32 s0, $0x0;
	s0 =	rddreg [dreg:$0x7]  }
0x23c: {  	s0 =	sadd.s32 @!p0 $0x100000, s0  }
0x23d: {  	[sflag:s0] =	ssyncadd.tile.s32 @!p0 $0x1;
	_ =	shalt  }
.Lfunc_end2:
_tile_overlayer_lowered:
.L_overlay_start_2:
0x23e: {  	(tag) =	ssettag $0x2  }
0x23f: {  	s0 =	rddreg [dreg:$0x0];
	s2 =	stileid.u32  }
0x240: {  	s1 =	rddreg [dreg:$0x1];
	p0 =	sne.s32 s2, $0x0  }
0x241: {  	s3 =	rddreg [dreg:$0x2];
	[bflag:$0x3] =	sbarrier.arrive $0xFFFF;
	s2 =	simm.s32 @!p0 $0x1C09  }
0x242: {  	[timem:s3], [sflag:s2] =	dma.local @!p0 [hbm:s0], s1  }
0x243: {  	s0 =	simm.s32 @!p0 $0x9  }
0x244: {  	_ =	swait.ge @!p0 [sflag:s0], s1  }
0x245: {  	s1 =	ssub.s32 @!p0 $0x0, s1;
	[sflag:s0] =	ssyncset.done @!p0 $0x0  }
0x246: {  	[sflag:s0] =	ssyncadd.s32 @!p0 s1  }
0x247: {  	[bflag:$0x3] =	sbarrier.arrive $0xFFFF  }
0x248: {  	_ =	shalt  }

</sc_bundles>
